<compile_context>
chip_gen: v7x
topology: tpu7x:2x2x1
jax: 0.10.2.dev20260603
libtpu: 0.0.44.dev20260713+nightly
codegen_flags: <defaults>
</compile_context>

<pallas_src>
import functools

import jax
import jax.numpy as jnp
import numpy as np
from jax.experimental import pallas as pl
from jax.experimental.pallas import tpu as pltpu
from jax.experimental.pallas import tpu_sc as plsc

EMBED_DIM = 2048
INNER_DIM = 64
PRUNE_RATIO = 0.25
_SQRT_HALF = float(np.sqrt(0.5).astype(np.float32))
_INV_C = float(np.float32(1.0 / 2048.0))

_ERFC_P = [2.326819970068386e-2, -1.387039388740657e-1, 3.687424674597105e-1,
           -5.824733027278666e-1, 6.210004621745983e-1, -4.944515323274145e-1,
           3.404879937665872e-1, -2.741127028184656e-1, 5.638259427386472e-1]
_ERFC_R = [-1.047766399936249e+1, 1.297719955372516e+1, -7.495518717768503e+0,
           2.921019019210786e+0, -1.015265279202700e+0, 4.218463358204948e-1,
           -2.820767439740514e-1, 5.641895067754075e-1]
_ERF_T = [7.853861353153693e-5, -8.010193625184903e-4, 5.188327685732524e-3,
          -2.685381193529856e-2, 1.128358514861418e-1, -3.761262582423300e-1,
          1.128379165726710e+0]


def _poly(y, cs):
    p = jnp.full_like(y, np.float32(cs[0]))
    for c in cs[1:]:
        p = p * y + np.float32(c)
    return p


def _gelu_exact(x):
    a = x * np.float32(-_SQRT_HALF)
    a2 = a * a
    neg_a2 = -a2
    abs_a = jnp.abs(a)
    z = jnp.exp(neg_a2)
    y = 1.0 / a2
    q = 1.0 / abs_a
    p = jnp.where(abs_a < 2.0, _poly(y, _ERFC_P), _poly(y, _ERFC_R))
    yv = (z * q) * p
    yv = jnp.where(neg_a2 < np.float32(-88.72284), 0.0, yv)
    tail = jnp.where(a < 0.0, 2.0 - yv, yv)
    erf_small = a * _poly(a2, _ERF_T)
    erfc = jnp.where(abs_a < 1.0, 1.0 - erf_small, tail)
    return (0.5 * x) * erfc


def _row_sum(t):
    n = t.shape[1]
    acc = t[:, 0:128]
    for k in range(1, n // 128):
        acc = acc + t[:, k * 128:(k + 1) * 128]
    b = acc[:, 0:8]
    for s in range(1, 16):
        b = b + acc[:, s * 8:(s + 1) * 8]
    t1 = b[:, 0:4] + b[:, 4:8]
    t2 = t1[:, 0:2] + t1[:, 2:4]
    return t2[:, 0:1] + t2[:, 1:2]

_SCORE_BLK = 256
_RANK_BLK = 512
_PERM_BLK = 512
_GATHER_WIN = 16


def _scores_body(x_ref, lnw_ref, lnb_ref, w1_ref, b1_ref, w2_ref, b2_ref,
                 out_ref):
    xb = x_ref[0]
    mean = _row_sum(xb) * np.float32(_INV_C)
    d = xb - mean
    varsum = _row_sum(d * d)
    vp = np.float32(1e-5) + varsum * np.float32(_INV_C)
    std = vp * jax.lax.rsqrt(vp)
    h = ((d * (1.0 / std)) * lnw_ref[...]) + lnb_ref[...]
    h1 = jnp.dot(h, w1_ref[...], preferred_element_type=jnp.float32)
    h1 = h1 + b1_ref[...]
    g = _gelu_exact(h1)
    h2 = jnp.dot(g, w2_ref[...], preferred_element_type=jnp.float32)
    h2 = h2 + b2_ref[...]
    out_ref[...] = h2.reshape(1, h2.shape[0], 1)


def _rank_body(scol_ref, srow_ref, out_ref):
    blk_i = pl.program_id(1)
    s_col = scol_ref[0]
    s_row = srow_ref[0]
    n = srow_ref.shape[2]
    m = jnp.max(s_row, axis=1, keepdims=True)
    e_row = jnp.exp(s_row - m)
    r = 1.0 / _row_sum(e_row)
    k_row = e_row * r
    k_col = jnp.exp(s_col - m) * r
    i_idx = (jax.lax.broadcasted_iota(jnp.int32, (_RANK_BLK, n), 0)
             + blk_i * _RANK_BLK)
    j_idx = jax.lax.broadcasted_iota(jnp.int32, (_RANK_BLK, n), 1)
    gt = (k_row > k_col) | ((k_row == k_col) & (j_idx < i_idx))
    rank = jnp.sum(gt.astype(jnp.int32), axis=1, keepdims=True)
    out_ref[...] = rank.reshape(1, _RANK_BLK, 1)


def _perm_body(rrow_ref, out_ref):
    b = pl.program_id(0)
    blk_p = pl.program_id(1)
    r_row = rrow_ref[0]
    n = rrow_ref.shape[2]
    p_idx = (jax.lax.broadcasted_iota(jnp.int32, (_PERM_BLK, n), 0)
             + blk_p * _PERM_BLK)
    j_idx = jax.lax.broadcasted_iota(jnp.int32, (_PERM_BLK, n), 1)
    eq = (r_row == p_idx).astype(jnp.int32)
    perm = jnp.sum(eq * j_idx, axis=1, keepdims=True) + b * n
    out_ref[...] = perm.reshape(1, _PERM_BLK, 1)


def _compute_scores(x, ln_w, ln_b, w1, b1, w2, b2):
    B, N, C = x.shape
    grid = (B, N // _SCORE_BLK)
    return pl.pallas_call(
        _scores_body,
        grid=grid,
        in_specs=[
            pl.BlockSpec((1, _SCORE_BLK, C), lambda b, i: (b, i, 0)),
            pl.BlockSpec((1, C), lambda b, i: (0, 0)),
            pl.BlockSpec((1, C), lambda b, i: (0, 0)),
            pl.BlockSpec((C, INNER_DIM), lambda b, i: (0, 0)),
            pl.BlockSpec((1, INNER_DIM), lambda b, i: (0, 0)),
            pl.BlockSpec((INNER_DIM, 1), lambda b, i: (0, 0)),
            pl.BlockSpec((1, 1), lambda b, i: (0, 0)),
        ],
        out_specs=pl.BlockSpec((1, _SCORE_BLK, 1), lambda b, i: (b, i, 0)),
        out_shape=jax.ShapeDtypeStruct((B, N, 1), jnp.float32),
    )(x, ln_w.reshape(1, C), ln_b.reshape(1, C), w1, b1.reshape(1, INNER_DIM),
      w2, b2.reshape(1, 1))


def _compute_ranks(scores_col, scores_row):
    B, N, _ = scores_col.shape
    return pl.pallas_call(
        _rank_body,
        grid=(B, N // _RANK_BLK),
        in_specs=[
            pl.BlockSpec((1, _RANK_BLK, 1), lambda b, i: (b, i, 0)),
            pl.BlockSpec((1, 1, N), lambda b, i: (b, 0, 0)),
        ],
        out_specs=pl.BlockSpec((1, _RANK_BLK, 1), lambda b, i: (b, i, 0)),
        out_shape=jax.ShapeDtypeStruct((B, N, 1), jnp.int32),
    )(scores_col, scores_row)


def _compute_perm(rank_row, n_prune):
    B, _, N = rank_row.shape
    return pl.pallas_call(
        _perm_body,
        grid=(B, n_prune // _PERM_BLK),
        in_specs=[pl.BlockSpec((1, 1, N), lambda b, p: (b, 0, 0))],
        out_specs=pl.BlockSpec((1, _PERM_BLK, 1), lambda b, p: (b, p, 0)),
        out_shape=jax.ShapeDtypeStruct((B, n_prune, 1), jnp.int32),
    )(rank_row)


def _sc_gather(x2d, flat_idx):
    n_rows, C = flat_idx.shape[0], x2d.shape[1]
    mesh = plsc.VectorSubcoreMesh(core_axis_name="core",
                                  subcore_axis_name="subcore")
    n_w = 32
    per_w = n_rows // n_w
    ch = 32

    @functools.partial(
        pl.kernel,
        out_type=jax.ShapeDtypeStruct((n_rows, C), jnp.float32),
        mesh=mesh,
        scratch_types=[
            pltpu.VMEM((per_w,), jnp.int32),
            pltpu.VMEM((ch, C), jnp.float32),
            pltpu.SemaphoreType.DMA,
        ],
    )
    def gather_kernel(x_hbm, i_hbm, o_hbm, idx_v, rows_v, sem):
        wid = jax.lax.axis_index("subcore") * 2 + jax.lax.axis_index("core")
        base = wid * per_w
        pltpu.sync_copy(i_hbm.at[pl.ds(base, per_w)], idx_v)
        for c in range(per_w // ch):
            pltpu.async_copy(
                x_hbm.at[idx_v.at[pl.ds(c * ch, ch)]], rows_v, sem).wait()
            pltpu.sync_copy(rows_v, o_hbm.at[pl.ds(base + c * ch, ch)])

    return gather_kernel(x2d, flat_idx)


def kernel(x, ln_w, ln_b, w1, b1, w2, b2):
    B, N, C = x.shape
    n_prune = int(N * PRUNE_RATIO)
    scores_col = _compute_scores(x, ln_w, ln_b, w1, b1, w2, b2)
    scores_row = scores_col.reshape(B, 1, N)
    rank_col = _compute_ranks(scores_col, scores_row)
    rank_row = rank_col.reshape(B, 1, N)
    perm_col = _compute_perm(rank_row, n_prune)
    flat_idx = perm_col.reshape(B * n_prune)
    out2d = _sc_gather(x.reshape(B * N, C), flat_idx)
    return out2d.reshape(B, n_prune, C)

# --- scband reference (transcript-rebuilt; emitter-appended) ---
"""Pipeline reference for scband-evotoken-compressor-61564061221313 (READ-ONLY COPY).

The authoritative reference and input builder live on the scoring server;
editing this copy changes nothing except your own understanding.
"""

import jax, jax.numpy as jnp
import numpy as np

EMBED_DIM = 2048
INNER_DIM = 64
PRUNE_RATIO = 0.25


def setup_inputs(seed: int = 0) -> dict:
    key = jax.random.key(seed)
    k0, k1, k2 = jax.random.split(key, 3)
    x = jax.random.normal(k0, (4, 4096, EMBED_DIM), dtype=jnp.float32)
    ln_w = jnp.ones((EMBED_DIM,), dtype=jnp.float32)
    ln_b = jnp.zeros((EMBED_DIM,), dtype=jnp.float32)
    w1 = jax.random.normal(k1, (EMBED_DIM, INNER_DIM), dtype=jnp.float32) * 0.02
    b1 = jnp.zeros((INNER_DIM,), dtype=jnp.float32)
    w2 = jax.random.normal(k2, (INNER_DIM, 1), dtype=jnp.float32) * 0.02
    b2 = jnp.zeros((1,), dtype=jnp.float32)
    return {"x": x, "ln_w": ln_w, "ln_b": ln_b, "w1": w1, "b1": b1, "w2": w2, "b2": b2}


def reference(x, ln_w, ln_b, w1, b1, w2, b2):
    B, N, C = x.shape
    N_prune = int(N * PRUNE_RATIO)
    # forward_features: LayerNorm -> Linear -> GELU -> Linear -> softmax over tokens
    mean = jnp.mean(x, axis=-1, keepdims=True)
    var = jnp.mean((x - mean) ** 2, axis=-1, keepdims=True)
    h = (x - mean) / jnp.sqrt(var + 1e-5) * ln_w + ln_b
    h = jnp.dot(h, w1) + b1
    h = jax.nn.gelu(h, approximate=False)
    h = jnp.dot(h, w2) + b2
    pred_score = jax.nn.softmax(h.squeeze(-1), axis=-1)  # [B, N]
    # sort descending by score, gather tokens, keep top N_prune
    indices = jnp.argsort(-pred_score, axis=1)  # [B, N]
    gathered = jnp.take_along_axis(x, indices[:, :, None], axis=1)  # [B, N, C]
    image_embeds = gathered[:, :N_prune]
    return image_embeds

if __name__ == "__main__":
    import jax
    _d = setup_inputs()
    print(jax.jit(kernel)(*tuple(_d.values())))

</pallas_src>

<mosaic_0001>
#map = affine_map<(d0, d1) -> (0, 0)>
#map1 = affine_map<(d0, d1) -> (0)>
module attributes {stable_mosaic.version = 14 : i64} {
  func.func @gather_kernel(%arg0: i32, %arg1: i32, %arg2: memref<16384x2048xf32, #tpu.memory_space<hbm>>, %arg3: memref<4096xi32, #tpu.memory_space<hbm>>, %arg4: memref<4096x2048xf32, #tpu.memory_space<hbm>>, %arg5: memref<128xi32, #tpu.memory_space<vmem>>, %arg6: memref<32x2048xf32, #tpu.memory_space<vmem>>, %arg7: memref<!tpu.dma_semaphore, #tpu.memory_space<semaphore_mem>>) attributes {dimension_semantics = [#tpu.dimension_semantics<core_parallel>, #tpu.dimension_semantics<subcore_parallel>], iteration_bounds = array<i64: 2, 16>, scalar_prefetch = 0 : i64, scratch_operands = 3 : i64, tpu.core_type = #tpu.core_type<sc_vector_subcore>, window_params = [{transform_indices = #map}, {transform_indices = #map1}, {transform_indices = #map}]} {
    %mul3A = arith.constant 2 : i32
    %mul3A_0 = arith.muli %arg1, %mul3A : i32
    %add3A = arith.addi %mul3A_0, %arg0 : i32
    %mul3A_1 = arith.constant 128 : i32
    %mul3A_2 = arith.muli %add3A, %mul3A_1 : i32
    "tpu.region"() ({
      %run_scoped3A = tpu.sem_alloc : memref<!tpu.dma_semaphore, #tpu.memory_space<semaphore_mem>>
      %dma_start3A_49 = tpu.memref_slice %arg3[%mul3A_2] : memref<4096xi32, #tpu.memory_space<hbm>> -> memref<128xi32, #tpu.memory_space<hbm>>
      %dma_start3A_50 = tpu.memref_slice %arg3[%mul3A_2] : memref<4096xi32, #tpu.memory_space<hbm>> -> memref<128xi32, #tpu.memory_space<hbm>>
      tpu.enqueue_dma source(%dma_start3A_50 : memref<128xi32, #tpu.memory_space<hbm>>) target(%arg5 : memref<128xi32, #tpu.memory_space<vmem>>) target_semaphore(%run_scoped3A : memref<!tpu.dma_semaphore, #tpu.memory_space<semaphore_mem>>)
      %dma_wait3A_51 = tpu.memref_slice %arg3[%mul3A_2] : memref<4096xi32, #tpu.memory_space<hbm>> -> memref<128xi32, #tpu.memory_space<hbm>>
      %dma_wait3A_52 = tpu.memref_slice %arg3[%mul3A_2] : memref<4096xi32, #tpu.memory_space<hbm>> -> memref<128xi32, #tpu.memory_space<hbm>>
      tpu.wait_dma2 semaphore(%run_scoped3A : memref<!tpu.dma_semaphore, #tpu.memory_space<semaphore_mem>>) src(%dma_wait3A_52 : memref<128xi32, #tpu.memory_space<hbm>>) dst(%arg5 : memref<128xi32, #tpu.memory_space<vmem>>)
      tpu.yield
    }) : () -> ()
    %dma_start3A = arith.constant 0 : i32
    %dma_start3A_3 = tpu.memref_slice %arg5[%dma_start3A] : memref<128xi32, #tpu.memory_space<vmem>> -> memref<32xi32, #tpu.memory_space<vmem>>
    %dma_start3A_4 = arith.constant 0 : i32
    %dma_start3A_5 = arith.constant 0 : i32
    %dma_start3A_6 = tpu.memref_slice %arg2[%dma_start3A_4, %dma_start3A_5] : memref<16384x2048xf32, #tpu.memory_space<hbm>> -> memref<16384x2048xf32, #tpu.memory_space<hbm>>
    tpu.enqueue_indirect_dma source(%dma_start3A_6 : memref<16384x2048xf32, #tpu.memory_space<hbm>>) target(%arg6 : memref<32x2048xf32, #tpu.memory_space<vmem>>) offsets(%dma_start3A_3 : memref<32xi32, #tpu.memory_space<vmem>>) semaphore(%arg7 : memref<!tpu.dma_semaphore, #tpu.memory_space<semaphore_mem>>)
    %dma_wait3A = arith.constant 0 : i32
    %dma_wait3A_7 = tpu.memref_slice %arg5[%dma_wait3A] : memref<128xi32, #tpu.memory_space<vmem>> -> memref<32xi32, #tpu.memory_space<vmem>>
    %dma_wait3A_8 = arith.constant 0 : i32
    %dma_wait3A_9 = arith.constant 0 : i32
    %dma_wait3A_10 = tpu.memref_slice %arg2[%dma_wait3A_8, %dma_wait3A_9] : memref<16384x2048xf32, #tpu.memory_space<hbm>> -> memref<16384x2048xf32, #tpu.memory_space<hbm>>
    tpu.wait_indirect_dma semaphore(%arg7 : memref<!tpu.dma_semaphore, #tpu.memory_space<semaphore_mem>>) src(%dma_wait3A_10 : memref<16384x2048xf32, #tpu.memory_space<hbm>>) dst(%arg6 : memref<32x2048xf32, #tpu.memory_space<vmem>>)
    %add3A_11 = arith.constant 0 : i32
    %add3A_12 = arith.addi %mul3A_2, %add3A_11 : i32
    "tpu.region"() ({
      %run_scoped3A = tpu.sem_alloc : memref<!tpu.dma_semaphore, #tpu.memory_space<semaphore_mem>>
      %dma_start3A_49 = arith.constant 0 : i32
      %dma_start3A_50 = tpu.memref_slice %arg4[%add3A_12, %dma_start3A_49] : memref<4096x2048xf32, #tpu.memory_space<hbm>> -> memref<32x2048xf32, #tpu.memory_space<hbm>>
      %dma_start3A_51 = arith.constant 0 : i32
      %dma_start3A_52 = tpu.memref_slice %arg4[%add3A_12, %dma_start3A_51] : memref<4096x2048xf32, #tpu.memory_space<hbm>> -> memref<32x2048xf32, #tpu.memory_space<hbm>>
      tpu.enqueue_dma source(%arg6 : memref<32x2048xf32, #tpu.memory_space<vmem>>) target(%dma_start3A_52 : memref<32x2048xf32, #tpu.memory_space<hbm>>) target_semaphore(%run_scoped3A : memref<!tpu.dma_semaphore, #tpu.memory_space<semaphore_mem>>)
      %dma_wait3A_53 = arith.constant 0 : i32
      %dma_wait3A_54 = tpu.memref_slice %arg4[%add3A_12, %dma_wait3A_53] : memref<4096x2048xf32, #tpu.memory_space<hbm>> -> memref<32x2048xf32, #tpu.memory_space<hbm>>
      %dma_wait3A_55 = arith.constant 0 : i32
      %dma_wait3A_56 = tpu.memref_slice %arg4[%add3A_12, %dma_wait3A_55] : memref<4096x2048xf32, #tpu.memory_space<hbm>> -> memref<32x2048xf32, #tpu.memory_space<hbm>>
      tpu.wait_dma2 semaphore(%run_scoped3A : memref<!tpu.dma_semaphore, #tpu.memory_space<semaphore_mem>>) src(%arg6 : memref<32x2048xf32, #tpu.memory_space<vmem>>) dst(%dma_wait3A_56 : memref<32x2048xf32, #tpu.memory_space<hbm>>)
      tpu.yield
    }) : () -> ()
    %dma_start3A_13 = arith.constant 32 : i32
    %dma_start3A_14 = tpu.memref_slice %arg5[%dma_start3A_13] : memref<128xi32, #tpu.memory_space<vmem>> -> memref<32xi32, #tpu.memory_space<vmem>>
    %dma_start3A_15 = arith.constant 0 : i32
    %dma_start3A_16 = arith.constant 0 : i32
    %dma_start3A_17 = tpu.memref_slice %arg2[%dma_start3A_15, %dma_start3A_16] : memref<16384x2048xf32, #tpu.memory_space<hbm>> -> memref<16384x2048xf32, #tpu.memory_space<hbm>>
    tpu.enqueue_indirect_dma source(%dma_start3A_17 : memref<16384x2048xf32, #tpu.memory_space<hbm>>) target(%arg6 : memref<32x2048xf32, #tpu.memory_space<vmem>>) offsets(%dma_start3A_14 : memref<32xi32, #tpu.memory_space<vmem>>) semaphore(%arg7 : memref<!tpu.dma_semaphore, #tpu.memory_space<semaphore_mem>>)
    %dma_wait3A_18 = arith.constant 32 : i32
    %dma_wait3A_19 = tpu.memref_slice %arg5[%dma_wait3A_18] : memref<128xi32, #tpu.memory_space<vmem>> -> memref<32xi32, #tpu.memory_space<vmem>>
    %dma_wait3A_20 = arith.constant 0 : i32
    %dma_wait3A_21 = arith.constant 0 : i32
    %dma_wait3A_22 = tpu.memref_slice %arg2[%dma_wait3A_20, %dma_wait3A_21] : memref<16384x2048xf32, #tpu.memory_space<hbm>> -> memref<16384x2048xf32, #tpu.memory_space<hbm>>
    tpu.wait_indirect_dma semaphore(%arg7 : memref<!tpu.dma_semaphore, #tpu.memory_space<semaphore_mem>>) src(%dma_wait3A_22 : memref<16384x2048xf32, #tpu.memory_space<hbm>>) dst(%arg6 : memref<32x2048xf32, #tpu.memory_space<vmem>>)
    %add3A_23 = arith.constant 32 : i32
    %add3A_24 = arith.addi %mul3A_2, %add3A_23 : i32
    "tpu.region"() ({
      %run_scoped3A = tpu.sem_alloc : memref<!tpu.dma_semaphore, #tpu.memory_space<semaphore_mem>>
      %dma_start3A_49 = arith.constant 0 : i32
      %dma_start3A_50 = tpu.memref_slice %arg4[%add3A_24, %dma_start3A_49] : memref<4096x2048xf32, #tpu.memory_space<hbm>> -> memref<32x2048xf32, #tpu.memory_space<hbm>>
      %dma_start3A_51 = arith.constant 0 : i32
      %dma_start3A_52 = tpu.memref_slice %arg4[%add3A_24, %dma_start3A_51] : memref<4096x2048xf32, #tpu.memory_space<hbm>> -> memref<32x2048xf32, #tpu.memory_space<hbm>>
      tpu.enqueue_dma source(%arg6 : memref<32x2048xf32, #tpu.memory_space<vmem>>) target(%dma_start3A_52 : memref<32x2048xf32, #tpu.memory_space<hbm>>) target_semaphore(%run_scoped3A : memref<!tpu.dma_semaphore, #tpu.memory_space<semaphore_mem>>)
      %dma_wait3A_53 = arith.constant 0 : i32
      %dma_wait3A_54 = tpu.memref_slice %arg4[%add3A_24, %dma_wait3A_53] : memref<4096x2048xf32, #tpu.memory_space<hbm>> -> memref<32x2048xf32, #tpu.memory_space<hbm>>
      %dma_wait3A_55 = arith.constant 0 : i32
      %dma_wait3A_56 = tpu.memref_slice %arg4[%add3A_24, %dma_wait3A_55] : memref<4096x2048xf32, #tpu.memory_space<hbm>> -> memref<32x2048xf32, #tpu.memory_space<hbm>>
      tpu.wait_dma2 semaphore(%run_scoped3A : memref<!tpu.dma_semaphore, #tpu.memory_space<semaphore_mem>>) src(%arg6 : memref<32x2048xf32, #tpu.memory_space<vmem>>) dst(%dma_wait3A_56 : memref<32x2048xf32, #tpu.memory_space<hbm>>)
      tpu.yield
    }) : () -> ()
    %dma_start3A_25 = arith.constant 64 : i32
    %dma_start3A_26 = tpu.memref_slice %arg5[%dma_start3A_25] : memref<128xi32, #tpu.memory_space<vmem>> -> memref<32xi32, #tpu.memory_space<vmem>>
    %dma_start3A_27 = arith.constant 0 : i32
    %dma_start3A_28 = arith.constant 0 : i32
    %dma_start3A_29 = tpu.memref_slice %arg2[%dma_start3A_27, %dma_start3A_28] : memref<16384x2048xf32, #tpu.memory_space<hbm>> -> memref<16384x2048xf32, #tpu.memory_space<hbm>>
    tpu.enqueue_indirect_dma source(%dma_start3A_29 : memref<16384x2048xf32, #tpu.memory_space<hbm>>) target(%arg6 : memref<32x2048xf32, #tpu.memory_space<vmem>>) offsets(%dma_start3A_26 : memref<32xi32, #tpu.memory_space<vmem>>) semaphore(%arg7 : memref<!tpu.dma_semaphore, #tpu.memory_space<semaphore_mem>>)
    %dma_wait3A_30 = arith.constant 64 : i32
    %dma_wait3A_31 = tpu.memref_slice %arg5[%dma_wait3A_30] : memref<128xi32, #tpu.memory_space<vmem>> -> memref<32xi32, #tpu.memory_space<vmem>>
    %dma_wait3A_32 = arith.constant 0 : i32
    %dma_wait3A_33 = arith.constant 0 : i32
    %dma_wait3A_34 = tpu.memref_slice %arg2[%dma_wait3A_32, %dma_wait3A_33] : memref<16384x2048xf32, #tpu.memory_space<hbm>> -> memref<16384x2048xf32, #tpu.memory_space<hbm>>
    tpu.wait_indirect_dma semaphore(%arg7 : memref<!tpu.dma_semaphore, #tpu.memory_space<semaphore_mem>>) src(%dma_wait3A_34 : memref<16384x2048xf32, #tpu.memory_space<hbm>>) dst(%arg6 : memref<32x2048xf32, #tpu.memory_space<vmem>>)
    %add3A_35 = arith.constant 64 : i32
    %add3A_36 = arith.addi %mul3A_2, %add3A_35 : i32
    "tpu.region"() ({
      %run_scoped3A = tpu.sem_alloc : memref<!tpu.dma_semaphore, #tpu.memory_space<semaphore_mem>>
      %dma_start3A_49 = arith.constant 0 : i32
      %dma_start3A_50 = tpu.memref_slice %arg4[%add3A_36, %dma_start3A_49] : memref<4096x2048xf32, #tpu.memory_space<hbm>> -> memref<32x2048xf32, #tpu.memory_space<hbm>>
      %dma_start3A_51 = arith.constant 0 : i32
      %dma_start3A_52 = tpu.memref_slice %arg4[%add3A_36, %dma_start3A_51] : memref<4096x2048xf32, #tpu.memory_space<hbm>> -> memref<32x2048xf32, #tpu.memory_space<hbm>>
      tpu.enqueue_dma source(%arg6 : memref<32x2048xf32, #tpu.memory_space<vmem>>) target(%dma_start3A_52 : memref<32x2048xf32, #tpu.memory_space<hbm>>) target_semaphore(%run_scoped3A : memref<!tpu.dma_semaphore, #tpu.memory_space<semaphore_mem>>)
      %dma_wait3A_53 = arith.constant 0 : i32
      %dma_wait3A_54 = tpu.memref_slice %arg4[%add3A_36, %dma_wait3A_53] : memref<4096x2048xf32, #tpu.memory_space<hbm>> -> memref<32x2048xf32, #tpu.memory_space<hbm>>
      %dma_wait3A_55 = arith.constant 0 : i32
      %dma_wait3A_56 = tpu.memref_slice %arg4[%add3A_36, %dma_wait3A_55] : memref<4096x2048xf32, #tpu.memory_space<hbm>> -> memref<32x2048xf32, #tpu.memory_space<hbm>>
      tpu.wait_dma2 semaphore(%run_scoped3A : memref<!tpu.dma_semaphore, #tpu.memory_space<semaphore_mem>>) src(%arg6 : memref<32x2048xf32, #tpu.memory_space<vmem>>) dst(%dma_wait3A_56 : memref<32x2048xf32, #tpu.memory_space<hbm>>)
      tpu.yield
    }) : () -> ()
    %dma_start3A_37 = arith.constant 96 : i32
    %dma_start3A_38 = tpu.memref_slice %arg5[%dma_start3A_37] : memref<128xi32, #tpu.memory_space<vmem>> -> memref<32xi32, #tpu.memory_space<vmem>>
    %dma_start3A_39 = arith.constant 0 : i32
    %dma_start3A_40 = arith.constant 0 : i32
    %dma_start3A_41 = tpu.memref_slice %arg2[%dma_start3A_39, %dma_start3A_40] : memref<16384x2048xf32, #tpu.memory_space<hbm>> -> memref<16384x2048xf32, #tpu.memory_space<hbm>>
    tpu.enqueue_indirect_dma source(%dma_start3A_41 : memref<16384x2048xf32, #tpu.memory_space<hbm>>) target(%arg6 : memref<32x2048xf32, #tpu.memory_space<vmem>>) offsets(%dma_start3A_38 : memref<32xi32, #tpu.memory_space<vmem>>) semaphore(%arg7 : memref<!tpu.dma_semaphore, #tpu.memory_space<semaphore_mem>>)
    %dma_wait3A_42 = arith.constant 96 : i32
    %dma_wait3A_43 = tpu.memref_slice %arg5[%dma_wait3A_42] : memref<128xi32, #tpu.memory_space<vmem>> -> memref<32xi32, #tpu.memory_space<vmem>>
    %dma_wait3A_44 = arith.constant 0 : i32
    %dma_wait3A_45 = arith.constant 0 : i32
    %dma_wait3A_46 = tpu.memref_slice %arg2[%dma_wait3A_44, %dma_wait3A_45] : memref<16384x2048xf32, #tpu.memory_space<hbm>> -> memref<16384x2048xf32, #tpu.memory_space<hbm>>
    tpu.wait_indirect_dma semaphore(%arg7 : memref<!tpu.dma_semaphore, #tpu.memory_space<semaphore_mem>>) src(%dma_wait3A_46 : memref<16384x2048xf32, #tpu.memory_space<hbm>>) dst(%arg6 : memref<32x2048xf32, #tpu.memory_space<vmem>>)
    %add3A_47 = arith.constant 96 : i32
    %add3A_48 = arith.addi %mul3A_2, %add3A_47 : i32
    "tpu.region"() ({
      %run_scoped3A = tpu.sem_alloc : memref<!tpu.dma_semaphore, #tpu.memory_space<semaphore_mem>>
      %dma_start3A_49 = arith.constant 0 : i32
      %dma_start3A_50 = tpu.memref_slice %arg4[%add3A_48, %dma_start3A_49] : memref<4096x2048xf32, #tpu.memory_space<hbm>> -> memref<32x2048xf32, #tpu.memory_space<hbm>>
      %dma_start3A_51 = arith.constant 0 : i32
      %dma_start3A_52 = tpu.memref_slice %arg4[%add3A_48, %dma_start3A_51] : memref<4096x2048xf32, #tpu.memory_space<hbm>> -> memref<32x2048xf32, #tpu.memory_space<hbm>>
      tpu.enqueue_dma source(%arg6 : memref<32x2048xf32, #tpu.memory_space<vmem>>) target(%dma_start3A_52 : memref<32x2048xf32, #tpu.memory_space<hbm>>) target_semaphore(%run_scoped3A : memref<!tpu.dma_semaphore, #tpu.memory_space<semaphore_mem>>)
      %dma_wait3A_53 = arith.constant 0 : i32
      %dma_wait3A_54 = tpu.memref_slice %arg4[%add3A_48, %dma_wait3A_53] : memref<4096x2048xf32, #tpu.memory_space<hbm>> -> memref<32x2048xf32, #tpu.memory_space<hbm>>
      %dma_wait3A_55 = arith.constant 0 : i32
      %dma_wait3A_56 = tpu.memref_slice %arg4[%add3A_48, %dma_wait3A_55] : memref<4096x2048xf32, #tpu.memory_space<hbm>> -> memref<32x2048xf32, #tpu.memory_space<hbm>>
      tpu.wait_dma2 semaphore(%run_scoped3A : memref<!tpu.dma_semaphore, #tpu.memory_space<semaphore_mem>>) src(%arg6 : memref<32x2048xf32, #tpu.memory_space<vmem>>) dst(%dma_wait3A_56 : memref<32x2048xf32, #tpu.memory_space<hbm>>)
      tpu.yield
    }) : () -> ()
    return
  }
}

module attributes {stable_mosaic.version = 14 : i64} {
  func.func @_scores_body(%arg0: i32, %arg1: i32, %arg2: memref<1x256x2048xf32, #tpu.memory_space<vmem>>, %arg3: memref<1x2048xf32, #tpu.memory_space<vmem>>, %arg4: memref<1x2048xf32, #tpu.memory_space<vmem>>, %arg5: memref<2048x64xf32, #tpu.memory_space<vmem>>, %arg6: memref<1x64xf32, #tpu.memory_space<vmem>>, %arg7: memref<64x1xf32, #tpu.memory_space<vmem>>, %arg8: memref<1x1xf32, #tpu.memory_space<vmem>>, %arg9: memref<1x256x1xf32, #tpu.memory_space<vmem>>) attributes {dimension_semantics = [#tpu.dimension_semantics<arbitrary>, #tpu.dimension_semantics<arbitrary>], iteration_bounds = array<i64: 4, 16>, scalar_prefetch = 0 : i64, scratch_operands = 0 : i64, tpu.core_type = #tpu.core_type<tc>, window_params = [{transform_indices = @transform_0, window_bounds = array<i64: 1, 256, 2048>}, {pipeline_mode = #tpu.pipeline_mode<synchronous>, transform_indices = @transform_1, window_bounds = array<i64: 1, 2048>}, {pipeline_mode = #tpu.pipeline_mode<synchronous>, transform_indices = @transform_2, window_bounds = array<i64: 1, 2048>}, {pipeline_mode = #tpu.pipeline_mode<synchronous>, transform_indices = @transform_3, window_bounds = array<i64: 2048, 64>}, {pipeline_mode = #tpu.pipeline_mode<synchronous>, transform_indices = @transform_4, window_bounds = array<i64: 1, 64>}, {pipeline_mode = #tpu.pipeline_mode<synchronous>, transform_indices = @transform_5, window_bounds = array<i64: 64, 1>}, {pipeline_mode = #tpu.pipeline_mode<synchronous>, transform_indices = @transform_6, window_bounds = array<i64: 1, 1>}, {transform_indices = @transform_7, window_bounds = array<i64: 1, 256, 1>}]} {
    %get3A = arith.constant 0 : index
    %get3A_0 = arith.constant 0 : index
    %get3A_1 = arith.constant 0 : index
    %get3A_2 = vector.load %arg2[%get3A, %get3A_0, %get3A_1] : memref<1x256x2048xf32, #tpu.memory_space<vmem>>, vector<1x256x2048xf32>
    %get3A_3 = vector.shape_cast %get3A_2 : vector<1x256x2048xf32> to vector<256x2048xf32>
    %slice3A = vector.extract_strided_slice %get3A_3 {offsets = [0, 0], sizes = [256, 128], strides = [1, 1]} : vector<256x2048xf32> to vector<256x128xf32>
    %slice3A_4 = vector.extract_strided_slice %get3A_3 {offsets = [0, 128], sizes = [256, 128], strides = [1, 1]} : vector<256x2048xf32> to vector<256x128xf32>
    %add3A = arith.addf %slice3A, %slice3A_4 : vector<256x128xf32>
    %slice3A_5 = vector.extract_strided_slice %get3A_3 {offsets = [0, 256], sizes = [256, 128], strides = [1, 1]} : vector<256x2048xf32> to vector<256x128xf32>
    %add3A_6 = arith.addf %add3A, %slice3A_5 : vector<256x128xf32>
    %slice3A_7 = vector.extract_strided_slice %get3A_3 {offsets = [0, 384], sizes = [256, 128], strides = [1, 1]} : vector<256x2048xf32> to vector<256x128xf32>
    %add3A_8 = arith.addf %add3A_6, %slice3A_7 : vector<256x128xf32>
    %slice3A_9 = vector.extract_strided_slice %get3A_3 {offsets = [0, 512], sizes = [256, 128], strides = [1, 1]} : vector<256x2048xf32> to vector<256x128xf32>
    %add3A_10 = arith.addf %add3A_8, %slice3A_9 : vector<256x128xf32>
    %slice3A_11 = vector.extract_strided_slice %get3A_3 {offsets = [0, 640], sizes = [256, 128], strides = [1, 1]} : vector<256x2048xf32> to vector<256x128xf32>
    %add3A_12 = arith.addf %add3A_10, %slice3A_11 : vector<256x128xf32>
    %slice3A_13 = vector.extract_strided_slice %get3A_3 {offsets = [0, 768], sizes = [256, 128], strides = [1, 1]} : vector<256x2048xf32> to vector<256x128xf32>
    %add3A_14 = arith.addf %add3A_12, %slice3A_13 : vector<256x128xf32>
    %slice3A_15 = vector.extract_strided_slice %get3A_3 {offsets = [0, 896], sizes = [256, 128], strides = [1, 1]} : vector<256x2048xf32> to vector<256x128xf32>
    %add3A_16 = arith.addf %add3A_14, %slice3A_15 : vector<256x128xf32>
    %slice3A_17 = vector.extract_strided_slice %get3A_3 {offsets = [0, 1024], sizes = [256, 128], strides = [1, 1]} : vector<256x2048xf32> to vector<256x128xf32>
    %add3A_18 = arith.addf %add3A_16, %slice3A_17 : vector<256x128xf32>
    %slice3A_19 = vector.extract_strided_slice %get3A_3 {offsets = [0, 1152], sizes = [256, 128], strides = [1, 1]} : vector<256x2048xf32> to vector<256x128xf32>
    %add3A_20 = arith.addf %add3A_18, %slice3A_19 : vector<256x128xf32>
    %slice3A_21 = vector.extract_strided_slice %get3A_3 {offsets = [0, 1280], sizes = [256, 128], strides = [1, 1]} : vector<256x2048xf32> to vector<256x128xf32>
    %add3A_22 = arith.addf %add3A_20, %slice3A_21 : vector<256x128xf32>
    %slice3A_23 = vector.extract_strided_slice %get3A_3 {offsets = [0, 1408], sizes = [256, 128], strides = [1, 1]} : vector<256x2048xf32> to vector<256x128xf32>
    %add3A_24 = arith.addf %add3A_22, %slice3A_23 : vector<256x128xf32>
    %slice3A_25 = vector.extract_strided_slice %get3A_3 {offsets = [0, 1536], sizes = [256, 128], strides = [1, 1]} : vector<256x2048xf32> to vector<256x128xf32>
    %add3A_26 = arith.addf %add3A_24, %slice3A_25 : vector<256x128xf32>
    %slice3A_27 = vector.extract_strided_slice %get3A_3 {offsets = [0, 1664], sizes = [256, 128], strides = [1, 1]} : vector<256x2048xf32> to vector<256x128xf32>
    %add3A_28 = arith.addf %add3A_26, %slice3A_27 : vector<256x128xf32>
    %slice3A_29 = vector.extract_strided_slice %get3A_3 {offsets = [0, 1792], sizes = [256, 128], strides = [1, 1]} : vector<256x2048xf32> to vector<256x128xf32>
    %add3A_30 = arith.addf %add3A_28, %slice3A_29 : vector<256x128xf32>
    %slice3A_31 = vector.extract_strided_slice %get3A_3 {offsets = [0, 1920], sizes = [256, 128], strides = [1, 1]} : vector<256x2048xf32> to vector<256x128xf32>
    %add3A_32 = arith.addf %add3A_30, %slice3A_31 : vector<256x128xf32>
    %slice3A_33 = vector.extract_strided_slice %add3A_32 {offsets = [0, 0], sizes = [256, 8], strides = [1, 1]} : vector<256x128xf32> to vector<256x8xf32>
    %slice3A_34 = vector.extract_strided_slice %add3A_32 {offsets = [0, 8], sizes = [256, 8], strides = [1, 1]} : vector<256x128xf32> to vector<256x8xf32>
    %add3A_35 = arith.addf %slice3A_33, %slice3A_34 : vector<256x8xf32>
    %slice3A_36 = vector.extract_strided_slice %add3A_32 {offsets = [0, 16], sizes = [256, 8], strides = [1, 1]} : vector<256x128xf32> to vector<256x8xf32>
    %add3A_37 = arith.addf %add3A_35, %slice3A_36 : vector<256x8xf32>
    %slice3A_38 = vector.extract_strided_slice %add3A_32 {offsets = [0, 24], sizes = [256, 8], strides = [1, 1]} : vector<256x128xf32> to vector<256x8xf32>
    %add3A_39 = arith.addf %add3A_37, %slice3A_38 : vector<256x8xf32>
    %slice3A_40 = vector.extract_strided_slice %add3A_32 {offsets = [0, 32], sizes = [256, 8], strides = [1, 1]} : vector<256x128xf32> to vector<256x8xf32>
    %add3A_41 = arith.addf %add3A_39, %slice3A_40 : vector<256x8xf32>
    %slice3A_42 = vector.extract_strided_slice %add3A_32 {offsets = [0, 40], sizes = [256, 8], strides = [1, 1]} : vector<256x128xf32> to vector<256x8xf32>
    %add3A_43 = arith.addf %add3A_41, %slice3A_42 : vector<256x8xf32>
    %slice3A_44 = vector.extract_strided_slice %add3A_32 {offsets = [0, 48], sizes = [256, 8], strides = [1, 1]} : vector<256x128xf32> to vector<256x8xf32>
    %add3A_45 = arith.addf %add3A_43, %slice3A_44 : vector<256x8xf32>
    %slice3A_46 = vector.extract_strided_slice %add3A_32 {offsets = [0, 56], sizes = [256, 8], strides = [1, 1]} : vector<256x128xf32> to vector<256x8xf32>
    %add3A_47 = arith.addf %add3A_45, %slice3A_46 : vector<256x8xf32>
    %slice3A_48 = vector.extract_strided_slice %add3A_32 {offsets = [0, 64], sizes = [256, 8], strides = [1, 1]} : vector<256x128xf32> to vector<256x8xf32>
    %add3A_49 = arith.addf %add3A_47, %slice3A_48 : vector<256x8xf32>
    %slice3A_50 = vector.extract_strided_slice %add3A_32 {offsets = [0, 72], sizes = [256, 8], strides = [1, 1]} : vector<256x128xf32> to vector<256x8xf32>
    %add3A_51 = arith.addf %add3A_49, %slice3A_50 : vector<256x8xf32>
    %slice3A_52 = vector.extract_strided_slice %add3A_32 {offsets = [0, 80], sizes = [256, 8], strides = [1, 1]} : vector<256x128xf32> to vector<256x8xf32>
    %add3A_53 = arith.addf %add3A_51, %slice3A_52 : vector<256x8xf32>
    %slice3A_54 = vector.extract_strided_slice %add3A_32 {offsets = [0, 88], sizes = [256, 8], strides = [1, 1]} : vector<256x128xf32> to vector<256x8xf32>
    %add3A_55 = arith.addf %add3A_53, %slice3A_54 : vector<256x8xf32>
    %slice3A_56 = vector.extract_strided_slice %add3A_32 {offsets = [0, 96], sizes = [256, 8], strides = [1, 1]} : vector<256x128xf32> to vector<256x8xf32>
    %add3A_57 = arith.addf %add3A_55, %slice3A_56 : vector<256x8xf32>
    %slice3A_58 = vector.extract_strided_slice %add3A_32 {offsets = [0, 104], sizes = [256, 8], strides = [1, 1]} : vector<256x128xf32> to vector<256x8xf32>
    %add3A_59 = arith.addf %add3A_57, %slice3A_58 : vector<256x8xf32>
    %slice3A_60 = vector.extract_strided_slice %add3A_32 {offsets = [0, 112], sizes = [256, 8], strides = [1, 1]} : vector<256x128xf32> to vector<256x8xf32>
    %add3A_61 = arith.addf %add3A_59, %slice3A_60 : vector<256x8xf32>
    %slice3A_62 = vector.extract_strided_slice %add3A_32 {offsets = [0, 120], sizes = [256, 8], strides = [1, 1]} : vector<256x128xf32> to vector<256x8xf32>
    %add3A_63 = arith.addf %add3A_61, %slice3A_62 : vector<256x8xf32>
    %slice3A_64 = vector.extract_strided_slice %add3A_63 {offsets = [0, 0], sizes = [256, 4], strides = [1, 1]} : vector<256x8xf32> to vector<256x4xf32>
    %slice3A_65 = vector.extract_strided_slice %add3A_63 {offsets = [0, 4], sizes = [256, 4], strides = [1, 1]} : vector<256x8xf32> to vector<256x4xf32>
    %add3A_66 = arith.addf %slice3A_64, %slice3A_65 : vector<256x4xf32>
    %slice3A_67 = vector.extract_strided_slice %add3A_66 {offsets = [0, 0], sizes = [256, 2], strides = [1, 1]} : vector<256x4xf32> to vector<256x2xf32>
    %slice3A_68 = vector.extract_strided_slice %add3A_66 {offsets = [0, 2], sizes = [256, 2], strides = [1, 1]} : vector<256x4xf32> to vector<256x2xf32>
    %add3A_69 = arith.addf %slice3A_67, %slice3A_68 : vector<256x2xf32>
    %slice3A_70 = vector.extract_strided_slice %add3A_69 {offsets = [0, 0], sizes = [256, 1], strides = [1, 1]} : vector<256x2xf32> to vector<256x1xf32>
    %slice3A_71 = vector.extract_strided_slice %add3A_69 {offsets = [0, 1], sizes = [256, 1], strides = [1, 1]} : vector<256x2xf32> to vector<256x1xf32>
    %add3A_72 = arith.addf %slice3A_70, %slice3A_71 : vector<256x1xf32>
    %mul3A = arith.constant 4.8828125E-4 : f32
    %mul3A_73 = vector.broadcast %mul3A : f32 to vector<256x1xf32>
    %mul3A_74 = arith.mulf %add3A_72, %mul3A_73 : vector<256x1xf32>
    %sub3A = vector.broadcast %mul3A_74 : vector<256x1xf32> to vector<256x2048xf32>
    %sub3A_75 = arith.subf %get3A_3, %sub3A : vector<256x2048xf32>
    %mul3A_76 = arith.mulf %sub3A_75, %sub3A_75 : vector<256x2048xf32>
    %slice3A_77 = vector.extract_strided_slice %mul3A_76 {offsets = [0, 0], sizes = [256, 128], strides = [1, 1]} : vector<256x2048xf32> to vector<256x128xf32>
    %slice3A_78 = vector.extract_strided_slice %mul3A_76 {offsets = [0, 128], sizes = [256, 128], strides = [1, 1]} : vector<256x2048xf32> to vector<256x128xf32>
    %add3A_79 = arith.addf %slice3A_77, %slice3A_78 : vector<256x128xf32>
    %slice3A_80 = vector.extract_strided_slice %mul3A_76 {offsets = [0, 256], sizes = [256, 128], strides = [1, 1]} : vector<256x2048xf32> to vector<256x128xf32>
    %add3A_81 = arith.addf %add3A_79, %slice3A_80 : vector<256x128xf32>
    %slice3A_82 = vector.extract_strided_slice %mul3A_76 {offsets = [0, 384], sizes = [256, 128], strides = [1, 1]} : vector<256x2048xf32> to vector<256x128xf32>
    %add3A_83 = arith.addf %add3A_81, %slice3A_82 : vector<256x128xf32>
    %slice3A_84 = vector.extract_strided_slice %mul3A_76 {offsets = [0, 512], sizes = [256, 128], strides = [1, 1]} : vector<256x2048xf32> to vector<256x128xf32>
    %add3A_85 = arith.addf %add3A_83, %slice3A_84 : vector<256x128xf32>
    %slice3A_86 = vector.extract_strided_slice %mul3A_76 {offsets = [0, 640], sizes = [256, 128], strides = [1, 1]} : vector<256x2048xf32> to vector<256x128xf32>
    %add3A_87 = arith.addf %add3A_85, %slice3A_86 : vector<256x128xf32>
    %slice3A_88 = vector.extract_strided_slice %mul3A_76 {offsets = [0, 768], sizes = [256, 128], strides = [1, 1]} : vector<256x2048xf32> to vector<256x128xf32>
    %add3A_89 = arith.addf %add3A_87, %slice3A_88 : vector<256x128xf32>
    %slice3A_90 = vector.extract_strided_slice %mul3A_76 {offsets = [0, 896], sizes = [256, 128], strides = [1, 1]} : vector<256x2048xf32> to vector<256x128xf32>
    %add3A_91 = arith.addf %add3A_89, %slice3A_90 : vector<256x128xf32>
    %slice3A_92 = vector.extract_strided_slice %mul3A_76 {offsets = [0, 1024], sizes = [256, 128], strides = [1, 1]} : vector<256x2048xf32> to vector<256x128xf32>
    %add3A_93 = arith.addf %add3A_91, %slice3A_92 : vector<256x128xf32>
    %slice3A_94 = vector.extract_strided_slice %mul3A_76 {offsets = [0, 1152], sizes = [256, 128], strides = [1, 1]} : vector<256x2048xf32> to vector<256x128xf32>
    %add3A_95 = arith.addf %add3A_93, %slice3A_94 : vector<256x128xf32>
    %slice3A_96 = vector.extract_strided_slice %mul3A_76 {offsets = [0, 1280], sizes = [256, 128], strides = [1, 1]} : vector<256x2048xf32> to vector<256x128xf32>
    %add3A_97 = arith.addf %add3A_95, %slice3A_96 : vector<256x128xf32>
    %slice3A_98 = vector.extract_strided_slice %mul3A_76 {offsets = [0, 1408], sizes = [256, 128], strides = [1, 1]} : vector<256x2048xf32> to vector<256x128xf32>
    %add3A_99 = arith.addf %add3A_97, %slice3A_98 : vector<256x128xf32>
    %slice3A_100 = vector.extract_strided_slice %mul3A_76 {offsets = [0, 1536], sizes = [256, 128], strides = [1, 1]} : vector<256x2048xf32> to vector<256x128xf32>
    %add3A_101 = arith.addf %add3A_99, %slice3A_100 : vector<256x128xf32>
    %slice3A_102 = vector.extract_strided_slice %mul3A_76 {offsets = [0, 1664], sizes = [256, 128], strides = [1, 1]} : vector<256x2048xf32> to vector<256x128xf32>
    %add3A_103 = arith.addf %add3A_101, %slice3A_102 : vector<256x128xf32>
    %slice3A_104 = vector.extract_strided_slice %mul3A_76 {offsets = [0, 1792], sizes = [256, 128], strides = [1, 1]} : vector<256x2048xf32> to vector<256x128xf32>
    %add3A_105 = arith.addf %add3A_103, %slice3A_104 : vector<256x128xf32>
    %slice3A_106 = vector.extract_strided_slice %mul3A_76 {offsets = [0, 1920], sizes = [256, 128], strides = [1, 1]} : vector<256x2048xf32> to vector<256x128xf32>
    %add3A_107 = arith.addf %add3A_105, %slice3A_106 : vector<256x128xf32>
    %slice3A_108 = vector.extract_strided_slice %add3A_107 {offsets = [0, 0], sizes = [256, 8], strides = [1, 1]} : vector<256x128xf32> to vector<256x8xf32>
    %slice3A_109 = vector.extract_strided_slice %add3A_107 {offsets = [0, 8], sizes = [256, 8], strides = [1, 1]} : vector<256x128xf32> to vector<256x8xf32>
    %add3A_110 = arith.addf %slice3A_108, %slice3A_109 : vector<256x8xf32>
    %slice3A_111 = vector.extract_strided_slice %add3A_107 {offsets = [0, 16], sizes = [256, 8], strides = [1, 1]} : vector<256x128xf32> to vector<256x8xf32>
    %add3A_112 = arith.addf %add3A_110, %slice3A_111 : vector<256x8xf32>
    %slice3A_113 = vector.extract_strided_slice %add3A_107 {offsets = [0, 24], sizes = [256, 8], strides = [1, 1]} : vector<256x128xf32> to vector<256x8xf32>
    %add3A_114 = arith.addf %add3A_112, %slice3A_113 : vector<256x8xf32>
    %slice3A_115 = vector.extract_strided_slice %add3A_107 {offsets = [0, 32], sizes = [256, 8], strides = [1, 1]} : vector<256x128xf32> to vector<256x8xf32>
    %add3A_116 = arith.addf %add3A_114, %slice3A_115 : vector<256x8xf32>
    %slice3A_117 = vector.extract_strided_slice %add3A_107 {offsets = [0, 40], sizes = [256, 8], strides = [1, 1]} : vector<256x128xf32> to vector<256x8xf32>
    %add3A_118 = arith.addf %add3A_116, %slice3A_117 : vector<256x8xf32>
    %slice3A_119 = vector.extract_strided_slice %add3A_107 {offsets = [0, 48], sizes = [256, 8], strides = [1, 1]} : vector<256x128xf32> to vector<256x8xf32>
    %add3A_120 = arith.addf %add3A_118, %slice3A_119 : vector<256x8xf32>
    %slice3A_121 = vector.extract_strided_slice %add3A_107 {offsets = [0, 56], sizes = [256, 8], strides = [1, 1]} : vector<256x128xf32> to vector<256x8xf32>
    %add3A_122 = arith.addf %add3A_120, %slice3A_121 : vector<256x8xf32>
    %slice3A_123 = vector.extract_strided_slice %add3A_107 {offsets = [0, 64], sizes = [256, 8], strides = [1, 1]} : vector<256x128xf32> to vector<256x8xf32>
    %add3A_124 = arith.addf %add3A_122, %slice3A_123 : vector<256x8xf32>
    %slice3A_125 = vector.extract_strided_slice %add3A_107 {offsets = [0, 72], sizes = [256, 8], strides = [1, 1]} : vector<256x128xf32> to vector<256x8xf32>
    %add3A_126 = arith.addf %add3A_124, %slice3A_125 : vector<256x8xf32>
    %slice3A_127 = vector.extract_strided_slice %add3A_107 {offsets = [0, 80], sizes = [256, 8], strides = [1, 1]} : vector<256x128xf32> to vector<256x8xf32>
    %add3A_128 = arith.addf %add3A_126, %slice3A_127 : vector<256x8xf32>
    %slice3A_129 = vector.extract_strided_slice %add3A_107 {offsets = [0, 88], sizes = [256, 8], strides = [1, 1]} : vector<256x128xf32> to vector<256x8xf32>
    %add3A_130 = arith.addf %add3A_128, %slice3A_129 : vector<256x8xf32>
    %slice3A_131 = vector.extract_strided_slice %add3A_107 {offsets = [0, 96], sizes = [256, 8], strides = [1, 1]} : vector<256x128xf32> to vector<256x8xf32>
    %add3A_132 = arith.addf %add3A_130, %slice3A_131 : vector<256x8xf32>
    %slice3A_133 = vector.extract_strided_slice %add3A_107 {offsets = [0, 104], sizes = [256, 8], strides = [1, 1]} : vector<256x128xf32> to vector<256x8xf32>
    %add3A_134 = arith.addf %add3A_132, %slice3A_133 : vector<256x8xf32>
    %slice3A_135 = vector.extract_strided_slice %add3A_107 {offsets = [0, 112], sizes = [256, 8], strides = [1, 1]} : vector<256x128xf32> to vector<256x8xf32>
    %add3A_136 = arith.addf %add3A_134, %slice3A_135 : vector<256x8xf32>
    %slice3A_137 = vector.extract_strided_slice %add3A_107 {offsets = [0, 120], sizes = [256, 8], strides = [1, 1]} : vector<256x128xf32> to vector<256x8xf32>
    %add3A_138 = arith.addf %add3A_136, %slice3A_137 : vector<256x8xf32>
    %slice3A_139 = vector.extract_strided_slice %add3A_138 {offsets = [0, 0], sizes = [256, 4], strides = [1, 1]} : vector<256x8xf32> to vector<256x4xf32>
    %slice3A_140 = vector.extract_strided_slice %add3A_138 {offsets = [0, 4], sizes = [256, 4], strides = [1, 1]} : vector<256x8xf32> to vector<256x4xf32>
    %add3A_141 = arith.addf %slice3A_139, %slice3A_140 : vector<256x4xf32>
    %slice3A_142 = vector.extract_strided_slice %add3A_141 {offsets = [0, 0], sizes = [256, 2], strides = [1, 1]} : vector<256x4xf32> to vector<256x2xf32>
    %slice3A_143 = vector.extract_strided_slice %add3A_141 {offsets = [0, 2], sizes = [256, 2], strides = [1, 1]} : vector<256x4xf32> to vector<256x2xf32>
    %add3A_144 = arith.addf %slice3A_142, %slice3A_143 : vector<256x2xf32>
    %slice3A_145 = vector.extract_strided_slice %add3A_144 {offsets = [0, 0], sizes = [256, 1], strides = [1, 1]} : vector<256x2xf32> to vector<256x1xf32>
    %slice3A_146 = vector.extract_strided_slice %add3A_144 {offsets = [0, 1], sizes = [256, 1], strides = [1, 1]} : vector<256x2xf32> to vector<256x1xf32>
    %add3A_147 = arith.addf %slice3A_145, %slice3A_146 : vector<256x1xf32>
    %mul3A_148 = arith.constant 4.8828125E-4 : f32
    %mul3A_149 = vector.broadcast %mul3A_148 : f32 to vector<256x1xf32>
    %mul3A_150 = arith.mulf %add3A_147, %mul3A_149 : vector<256x1xf32>
    %add3A_151 = arith.constant 9.99999974E-6 : f32
    %add3A_152 = vector.broadcast %add3A_151 : f32 to vector<256x1xf32>
    %add3A_153 = arith.addf %add3A_152, %mul3A_150 : vector<256x1xf32>
    %rsqrt3A = math.rsqrt %add3A_153 : vector<256x1xf32>
    %mul3A_154 = arith.mulf %add3A_153, %rsqrt3A : vector<256x1xf32>
    %div3A = arith.constant 1.000000e+00 : f32
    %div3A_155 = vector.broadcast %div3A : f32 to vector<256x1xf32>
    %div3A_156 = arith.divf %div3A_155, %mul3A_154 : vector<256x1xf32>
    %mul3A_157 = vector.broadcast %div3A_156 : vector<256x1xf32> to vector<256x2048xf32>
    %mul3A_158 = arith.mulf %sub3A_75, %mul3A_157 : vector<256x2048xf32>
    %get3A_159 = arith.constant 0 : index
    %get3A_160 = arith.constant 0 : index
    %get3A_161 = vector.load %arg3[%get3A_159, %get3A_160] : memref<1x2048xf32, #tpu.memory_space<vmem>>, vector<1x2048xf32>
    %mul3A_162 = vector.broadcast %get3A_161 : vector<1x2048xf32> to vector<256x2048xf32>
    %mul3A_163 = arith.mulf %mul3A_158, %mul3A_162 : vector<256x2048xf32>
    %get3A_164 = arith.constant 0 : index
    %get3A_165 = arith.constant 0 : index
    %get3A_166 = vector.load %arg4[%get3A_164, %get3A_165] : memref<1x2048xf32, #tpu.memory_space<vmem>>, vector<1x2048xf32>
    %add3A_167 = vector.broadcast %get3A_166 : vector<1x2048xf32> to vector<256x2048xf32>
    %add3A_168 = arith.addf %mul3A_163, %add3A_167 : vector<256x2048xf32>
    %get3A_169 = arith.constant 0 : index
    %get3A_170 = arith.constant 0 : index
    %get3A_171 = vector.load %arg5[%get3A_169, %get3A_170] : memref<2048x64xf32, #tpu.memory_space<vmem>>, vector<2048x64xf32>
    %dot_general3A = arith.constant dense<0.000000e+00> : vector<256x64xf32>
    %dot_general3A_172 = tpu.matmul %add3A_168, %get3A_171, %dot_general3A {dimension_numbers = #tpu.dot_dimension_numbers<[1], [0], [0], [1], [0, 0, 1, 1], [], []>, transpose_lhs_hint = false} : vector<256x2048xf32>, vector<2048x64xf32>, vector<256x64xf32> -> vector<256x64xf32>
    %get3A_173 = arith.constant 0 : index
    %get3A_174 = arith.constant 0 : index
    %get3A_175 = vector.load %arg6[%get3A_173, %get3A_174] : memref<1x64xf32, #tpu.memory_space<vmem>>, vector<1x64xf32>
    %add3A_176 = vector.broadcast %get3A_175 : vector<1x64xf32> to vector<256x64xf32>
    %add3A_177 = arith.addf %dot_general3A_172, %add3A_176 : vector<256x64xf32>
    %mul3A_178 = arith.constant -0.707106769 : f32
    %mul3A_179 = vector.broadcast %mul3A_178 : f32 to vector<256x64xf32>
    %mul3A_180 = arith.mulf %add3A_177, %mul3A_179 : vector<256x64xf32>
    %mul3A_181 = arith.mulf %mul3A_180, %mul3A_180 : vector<256x64xf32>
    %neg3A = arith.constant 0.000000e+00 : f32
    %neg3A_182 = vector.broadcast %neg3A : f32 to vector<256x64xf32>
    %neg3A_183 = arith.subf %neg3A_182, %mul3A_181 : vector<256x64xf32>
    %abs3A = math.absf %mul3A_180 : vector<256x64xf32>
    %exp3A = math.exp %neg3A_183 : vector<256x64xf32>
    %div3A_184 = arith.constant 1.000000e+00 : f32
    %div3A_185 = vector.broadcast %div3A_184 : f32 to vector<256x64xf32>
    %div3A_186 = arith.divf %div3A_185, %mul3A_181 : vector<256x64xf32>
    %div3A_187 = arith.constant 1.000000e+00 : f32
    %div3A_188 = vector.broadcast %div3A_187 : f32 to vector<256x64xf32>
    %div3A_189 = arith.divf %div3A_188, %abs3A : vector<256x64xf32>
    %lt3A = arith.constant 2.000000e+00 : f32
    %lt3A_190 = vector.broadcast %lt3A : f32 to vector<256x64xf32>
    %lt3A_191 = arith.cmpf olt, %abs3A, %lt3A_190 : vector<256x64xf32>
    %broadcast_in_dim3A = arith.constant 2.326820e-02 : f32
    %broadcast_in_dim3A_192 = vector.broadcast %broadcast_in_dim3A : f32 to vector<256x64xf32>
    %mul3A_193 = arith.mulf %broadcast_in_dim3A_192, %div3A_186 : vector<256x64xf32>
    %add3A_194 = arith.constant -0.138703942 : f32
    %add3A_195 = vector.broadcast %add3A_194 : f32 to vector<256x64xf32>
    %add3A_196 = arith.addf %mul3A_193, %add3A_195 : vector<256x64xf32>
    %mul3A_197 = arith.mulf %add3A_196, %div3A_186 : vector<256x64xf32>
    %add3A_198 = arith.constant 0.368742466 : f32
    %add3A_199 = vector.broadcast %add3A_198 : f32 to vector<256x64xf32>
    %add3A_200 = arith.addf %mul3A_197, %add3A_199 : vector<256x64xf32>
    %mul3A_201 = arith.mulf %add3A_200, %div3A_186 : vector<256x64xf32>
    %add3A_202 = arith.constant -0.582473278 : f32
    %add3A_203 = vector.broadcast %add3A_202 : f32 to vector<256x64xf32>
    %add3A_204 = arith.addf %mul3A_201, %add3A_203 : vector<256x64xf32>
    %mul3A_205 = arith.mulf %add3A_204, %div3A_186 : vector<256x64xf32>
    %add3A_206 = arith.constant 0.621000468 : f32
    %add3A_207 = vector.broadcast %add3A_206 : f32 to vector<256x64xf32>
    %add3A_208 = arith.addf %mul3A_205, %add3A_207 : vector<256x64xf32>
    %mul3A_209 = arith.mulf %add3A_208, %div3A_186 : vector<256x64xf32>
    %add3A_210 = arith.constant -0.494451523 : f32
    %add3A_211 = vector.broadcast %add3A_210 : f32 to vector<256x64xf32>
    %add3A_212 = arith.addf %mul3A_209, %add3A_211 : vector<256x64xf32>
    %mul3A_213 = arith.mulf %add3A_212, %div3A_186 : vector<256x64xf32>
    %add3A_214 = arith.constant 3.404880e-01 : f32
    %add3A_215 = vector.broadcast %add3A_214 : f32 to vector<256x64xf32>
    %add3A_216 = arith.addf %mul3A_213, %add3A_215 : vector<256x64xf32>
    %mul3A_217 = arith.mulf %add3A_216, %div3A_186 : vector<256x64xf32>
    %add3A_218 = arith.constant -0.274112701 : f32
    %add3A_219 = vector.broadcast %add3A_218 : f32 to vector<256x64xf32>
    %add3A_220 = arith.addf %mul3A_217, %add3A_219 : vector<256x64xf32>
    %mul3A_221 = arith.mulf %add3A_220, %div3A_186 : vector<256x64xf32>
    %add3A_222 = arith.constant 0.563825965 : f32
    %add3A_223 = vector.broadcast %add3A_222 : f32 to vector<256x64xf32>
    %add3A_224 = arith.addf %mul3A_221, %add3A_223 : vector<256x64xf32>
    %broadcast_in_dim3A_225 = arith.constant -10.477664 : f32
    %broadcast_in_dim3A_226 = vector.broadcast %broadcast_in_dim3A_225 : f32 to vector<256x64xf32>
    %mul3A_227 = arith.mulf %broadcast_in_dim3A_226, %div3A_186 : vector<256x64xf32>
    %add3A_228 = arith.constant 1.297720e+01 : f32
    %add3A_229 = vector.broadcast %add3A_228 : f32 to vector<256x64xf32>
    %add3A_230 = arith.addf %mul3A_227, %add3A_229 : vector<256x64xf32>
    %mul3A_231 = arith.mulf %add3A_230, %div3A_186 : vector<256x64xf32>
    %add3A_232 = arith.constant -7.49551868 : f32
    %add3A_233 = vector.broadcast %add3A_232 : f32 to vector<256x64xf32>
    %add3A_234 = arith.addf %mul3A_231, %add3A_233 : vector<256x64xf32>
    %mul3A_235 = arith.mulf %add3A_234, %div3A_186 : vector<256x64xf32>
    %add3A_236 = arith.constant 2.92101908 : f32
    %add3A_237 = vector.broadcast %add3A_236 : f32 to vector<256x64xf32>
    %add3A_238 = arith.addf %mul3A_235, %add3A_237 : vector<256x64xf32>
    %mul3A_239 = arith.mulf %add3A_238, %div3A_186 : vector<256x64xf32>
    %add3A_240 = arith.constant -1.01526523 : f32
    %add3A_241 = vector.broadcast %add3A_240 : f32 to vector<256x64xf32>
    %add3A_242 = arith.addf %mul3A_239, %add3A_241 : vector<256x64xf32>
    %mul3A_243 = arith.mulf %add3A_242, %div3A_186 : vector<256x64xf32>
    %add3A_244 = arith.constant 0.42184633 : f32
    %add3A_245 = vector.broadcast %add3A_244 : f32 to vector<256x64xf32>
    %add3A_246 = arith.addf %mul3A_243, %add3A_245 : vector<256x64xf32>
    %mul3A_247 = arith.mulf %add3A_246, %div3A_186 : vector<256x64xf32>
    %add3A_248 = arith.constant -0.282076746 : f32
    %add3A_249 = vector.broadcast %add3A_248 : f32 to vector<256x64xf32>
    %add3A_250 = arith.addf %mul3A_247, %add3A_249 : vector<256x64xf32>
    %mul3A_251 = arith.mulf %add3A_250, %div3A_186 : vector<256x64xf32>
    %add3A_252 = arith.constant 0.564189494 : f32
    %add3A_253 = vector.broadcast %add3A_252 : f32 to vector<256x64xf32>
    %add3A_254 = arith.addf %mul3A_251, %add3A_253 : vector<256x64xf32>
    %select_n3A = arith.select %lt3A_191, %add3A_224, %add3A_254 : vector<256x64xi1>, vector<256x64xf32>
    %mul3A_255 = arith.mulf %exp3A, %div3A_189 : vector<256x64xf32>
    %mul3A_256 = arith.mulf %mul3A_255, %select_n3A : vector<256x64xf32>
    %lt3A_257 = arith.constant -88.7228394 : f32
    %lt3A_258 = vector.broadcast %lt3A_257 : f32 to vector<256x64xf32>
    %lt3A_259 = arith.cmpf olt, %neg3A_183, %lt3A_258 : vector<256x64xf32>
    %jit3A = arith.constant 0.000000e+00 : f32
    %broadcast_in_dim3A_260 = vector.broadcast %jit3A : f32 to vector<256x64xf32>
    %select_n3A_261 = arith.select %lt3A_259, %broadcast_in_dim3A_260, %mul3A_256 : vector<256x64xi1>, vector<256x64xf32>
    %lt3A_262 = arith.constant 0.000000e+00 : f32
    %lt3A_263 = vector.broadcast %lt3A_262 : f32 to vector<256x64xf32>
    %lt3A_264 = arith.cmpf olt, %mul3A_180, %lt3A_263 : vector<256x64xf32>
    %sub3A_265 = arith.constant 2.000000e+00 : f32
    %sub3A_266 = vector.broadcast %sub3A_265 : f32 to vector<256x64xf32>
    %sub3A_267 = arith.subf %sub3A_266, %select_n3A_261 : vector<256x64xf32>
    %select_n3A_268 = arith.select %lt3A_264, %sub3A_267, %select_n3A_261 : vector<256x64xi1>, vector<256x64xf32>
    %broadcast_in_dim3A_269 = arith.constant 7.85386146E-5 : f32
    %broadcast_in_dim3A_270 = vector.broadcast %broadcast_in_dim3A_269 : f32 to vector<256x64xf32>
    %mul3A_271 = arith.mulf %broadcast_in_dim3A_270, %mul3A_181 : vector<256x64xf32>
    %add3A_272 = arith.constant -8.0101937E-4 : f32
    %add3A_273 = vector.broadcast %add3A_272 : f32 to vector<256x64xf32>
    %add3A_274 = arith.addf %mul3A_271, %add3A_273 : vector<256x64xf32>
    %mul3A_275 = arith.mulf %add3A_274, %mul3A_181 : vector<256x64xf32>
    %add3A_276 = arith.constant 0.00518832775 : f32
    %add3A_277 = vector.broadcast %add3A_276 : f32 to vector<256x64xf32>
    %add3A_278 = arith.addf %mul3A_275, %add3A_277 : vector<256x64xf32>
    %mul3A_279 = arith.mulf %add3A_278, %mul3A_181 : vector<256x64xf32>
    %add3A_280 = arith.constant -0.0268538129 : f32
    %add3A_281 = vector.broadcast %add3A_280 : f32 to vector<256x64xf32>
    %add3A_282 = arith.addf %mul3A_279, %add3A_281 : vector<256x64xf32>
    %mul3A_283 = arith.mulf %add3A_282, %mul3A_181 : vector<256x64xf32>
    %add3A_284 = arith.constant 0.112835854 : f32
    %add3A_285 = vector.broadcast %add3A_284 : f32 to vector<256x64xf32>
    %add3A_286 = arith.addf %mul3A_283, %add3A_285 : vector<256x64xf32>
    %mul3A_287 = arith.mulf %add3A_286, %mul3A_181 : vector<256x64xf32>
    %add3A_288 = arith.constant -0.37612626 : f32
    %add3A_289 = vector.broadcast %add3A_288 : f32 to vector<256x64xf32>
    %add3A_290 = arith.addf %mul3A_287, %add3A_289 : vector<256x64xf32>
    %mul3A_291 = arith.mulf %add3A_290, %mul3A_181 : vector<256x64xf32>
    %add3A_292 = arith.constant 1.12837911 : f32
    %add3A_293 = vector.broadcast %add3A_292 : f32 to vector<256x64xf32>
    %add3A_294 = arith.addf %mul3A_291, %add3A_293 : vector<256x64xf32>
    %mul3A_295 = arith.mulf %mul3A_180, %add3A_294 : vector<256x64xf32>
    %lt3A_296 = arith.constant 1.000000e+00 : f32
    %lt3A_297 = vector.broadcast %lt3A_296 : f32 to vector<256x64xf32>
    %lt3A_298 = arith.cmpf olt, %abs3A, %lt3A_297 : vector<256x64xf32>
    %sub3A_299 = arith.constant 1.000000e+00 : f32
    %sub3A_300 = vector.broadcast %sub3A_299 : f32 to vector<256x64xf32>
    %sub3A_301 = arith.subf %sub3A_300, %mul3A_295 : vector<256x64xf32>
    %select_n3A_302 = arith.select %lt3A_298, %sub3A_301, %select_n3A_268 : vector<256x64xi1>, vector<256x64xf32>
    %mul3A_303 = arith.constant 5.000000e-01 : f32
    %mul3A_304 = vector.broadcast %mul3A_303 : f32 to vector<256x64xf32>
    %mul3A_305 = arith.mulf %mul3A_304, %add3A_177 : vector<256x64xf32>
    %mul3A_306 = arith.mulf %mul3A_305, %select_n3A_302 : vector<256x64xf32>
    %get3A_307 = arith.constant 0 : index
    %get3A_308 = arith.constant 0 : index
    %get3A_309 = vector.load %arg7[%get3A_307, %get3A_308] : memref<64x1xf32, #tpu.memory_space<vmem>>, vector<64x1xf32>
    %dot_general3A_310 = arith.constant dense<0.000000e+00> : vector<256x1xf32>
    %dot_general3A_311 = tpu.matmul %mul3A_306, %get3A_309, %dot_general3A_310 {dimension_numbers = #tpu.dot_dimension_numbers<[1], [0], [0], [1], [0, 0, 1, 1], [], []>, transpose_lhs_hint = false} : vector<256x64xf32>, vector<64x1xf32>, vector<256x1xf32> -> vector<256x1xf32>
    %get3A_312 = arith.constant 0 : index
    %get3A_313 = arith.constant 0 : index
    %get3A_314 = vector.load %arg8[%get3A_312, %get3A_313] : memref<1x1xf32, #tpu.memory_space<vmem>>, vector<1x1xf32>
    %add3A_315 = vector.broadcast %get3A_314 : vector<1x1xf32> to vector<256x1xf32>
    %add3A_316 = arith.addf %dot_general3A_311, %add3A_315 : vector<256x1xf32>
    %reshape3A = vector.shape_cast %add3A_316 : vector<256x1xf32> to vector<1x256x1xf32>
    %swap3A = arith.constant 0 : index
    %swap3A_317 = arith.constant 0 : index
    %swap3A_318 = arith.constant 0 : index
    %swap3A_319 = vector.load %arg9[%swap3A, %swap3A_317, %swap3A_318] : memref<1x256x1xf32, #tpu.memory_space<vmem>>, vector<1x256x1xf32>
    tpu.vector_store %arg9[%swap3A, %swap3A_317, %swap3A_318], %reshape3A {strides = array<i32>} : memref<1x256x1xf32, #tpu.memory_space<vmem>>, vector<1x256x1xf32>,
    return
  }
  func.func @transform_0(%arg0: i32, %arg1: i32) -> (i32, i32, i32) {
    %c0_i32 = arith.constant 0 : i32
    %c0_i32_0 = arith.constant 0 : i32
    return %arg0, %arg1, %c0_i32 : i32, i32, i32
  }
  func.func @transform_1(%arg0: i32, %arg1: i32) -> (i32, i32) {
    %c0_i32 = arith.constant 0 : i32
    %c0_i32_0 = arith.constant 0 : i32
    %c0_i32_1 = arith.constant 0 : i32
    return %c0_i32, %c0_i32_0 : i32, i32
  }
  func.func @transform_2(%arg0: i32, %arg1: i32) -> (i32, i32) {
    %c0_i32 = arith.constant 0 : i32
    %c0_i32_0 = arith.constant 0 : i32
    %c0_i32_1 = arith.constant 0 : i32
    return %c0_i32, %c0_i32_0 : i32, i32
  }
  func.func @transform_3(%arg0: i32, %arg1: i32) -> (i32, i32) {
    %c0_i32 = arith.constant 0 : i32
    %c0_i32_0 = arith.constant 0 : i32
    %c0_i32_1 = arith.constant 0 : i32
    return %c0_i32, %c0_i32_0 : i32, i32
  }
  func.func @transform_4(%arg0: i32, %arg1: i32) -> (i32, i32) {
    %c0_i32 = arith.constant 0 : i32
    %c0_i32_0 = arith.constant 0 : i32
    %c0_i32_1 = arith.constant 0 : i32
    return %c0_i32, %c0_i32_0 : i32, i32
  }
  func.func @transform_5(%arg0: i32, %arg1: i32) -> (i32, i32) {
    %c0_i32 = arith.constant 0 : i32
    %c0_i32_0 = arith.constant 0 : i32
    %c0_i32_1 = arith.constant 0 : i32
    return %c0_i32, %c0_i32_0 : i32, i32
  }
  func.func @transform_6(%arg0: i32, %arg1: i32) -> (i32, i32) {
    %c0_i32 = arith.constant 0 : i32
    %c0_i32_0 = arith.constant 0 : i32
    %c0_i32_1 = arith.constant 0 : i32
    return %c0_i32, %c0_i32_0 : i32, i32
  }
  func.func @transform_7(%arg0: i32, %arg1: i32) -> (i32, i32, i32) {
    %c0_i32 = arith.constant 0 : i32
    %c0_i32_0 = arith.constant 0 : i32
    return %arg0, %arg1, %c0_i32 : i32, i32, i32
  }
}

module attributes {stable_mosaic.version = 14 : i64} {
  func.func @_rank_body(%arg0: i32, %arg1: i32, %arg2: memref<1x512x1xf32, #tpu.memory_space<vmem>>, %arg3: memref<1x1x4096xf32, #tpu.memory_space<vmem>>, %arg4: memref<1x512x1xi32, #tpu.memory_space<vmem>>) attributes {dimension_semantics = [#tpu.dimension_semantics<arbitrary>, #tpu.dimension_semantics<arbitrary>], iteration_bounds = array<i64: 4, 8>, scalar_prefetch = 0 : i64, scratch_operands = 0 : i64, tpu.core_type = #tpu.core_type<tc>, window_params = [{transform_indices = @transform_0, window_bounds = array<i64: 1, 512, 1>}, {transform_indices = @transform_1, window_bounds = array<i64: 1, 1, 4096>}, {transform_indices = @transform_2, window_bounds = array<i64: 1, 512, 1>}]} {
    %get3A = arith.constant 0 : index
    %get3A_0 = arith.constant 0 : index
    %get3A_1 = arith.constant 0 : index
    %get3A_2 = vector.load %arg2[%get3A, %get3A_0, %get3A_1] : memref<1x512x1xf32, #tpu.memory_space<vmem>>, vector<1x512x1xf32>
    %get3A_3 = vector.shape_cast %get3A_2 : vector<1x512x1xf32> to vector<512x1xf32>
    %get3A_4 = arith.constant 0 : index
    %get3A_5 = arith.constant 0 : index
    %get3A_6 = arith.constant 0 : index
    %get3A_7 = vector.load %arg3[%get3A_4, %get3A_5, %get3A_6] : memref<1x1x4096xf32, #tpu.memory_space<vmem>>, vector<1x1x4096xf32>
    %get3A_8 = vector.shape_cast %get3A_7 : vector<1x1x4096xf32> to vector<1x4096xf32>
    %reduce_max3A = arith.constant dense<0xFF800000> : vector<1xf32>
    %reduce_max3A_9 = vector.multi_reduction <maximumf>, %get3A_8, %reduce_max3A [1] : vector<1x4096xf32> to vector<1xf32>
    %broadcast_in_dim3A = vector.shape_cast %reduce_max3A_9 : vector<1xf32> to vector<1x1xf32>
    %sub3A = vector.broadcast %broadcast_in_dim3A : vector<1x1xf32> to vector<1x4096xf32>
    %sub3A_10 = arith.subf %get3A_8, %sub3A : vector<1x4096xf32>
    %exp3A = math.exp %sub3A_10 : vector<1x4096xf32>
    %slice3A = vector.extract_strided_slice %exp3A {offsets = [0, 0], sizes = [1, 128], strides = [1, 1]} : vector<1x4096xf32> to vector<1x128xf32>
    %slice3A_11 = vector.extract_strided_slice %exp3A {offsets = [0, 128], sizes = [1, 128], strides = [1, 1]} : vector<1x4096xf32> to vector<1x128xf32>
    %add3A = arith.addf %slice3A, %slice3A_11 : vector<1x128xf32>
    %slice3A_12 = vector.extract_strided_slice %exp3A {offsets = [0, 256], sizes = [1, 128], strides = [1, 1]} : vector<1x4096xf32> to vector<1x128xf32>
    %add3A_13 = arith.addf %add3A, %slice3A_12 : vector<1x128xf32>
    %slice3A_14 = vector.extract_strided_slice %exp3A {offsets = [0, 384], sizes = [1, 128], strides = [1, 1]} : vector<1x4096xf32> to vector<1x128xf32>
    %add3A_15 = arith.addf %add3A_13, %slice3A_14 : vector<1x128xf32>
    %slice3A_16 = vector.extract_strided_slice %exp3A {offsets = [0, 512], sizes = [1, 128], strides = [1, 1]} : vector<1x4096xf32> to vector<1x128xf32>
    %add3A_17 = arith.addf %add3A_15, %slice3A_16 : vector<1x128xf32>
    %slice3A_18 = vector.extract_strided_slice %exp3A {offsets = [0, 640], sizes = [1, 128], strides = [1, 1]} : vector<1x4096xf32> to vector<1x128xf32>
    %add3A_19 = arith.addf %add3A_17, %slice3A_18 : vector<1x128xf32>
    %slice3A_20 = vector.extract_strided_slice %exp3A {offsets = [0, 768], sizes = [1, 128], strides = [1, 1]} : vector<1x4096xf32> to vector<1x128xf32>
    %add3A_21 = arith.addf %add3A_19, %slice3A_20 : vector<1x128xf32>
    %slice3A_22 = vector.extract_strided_slice %exp3A {offsets = [0, 896], sizes = [1, 128], strides = [1, 1]} : vector<1x4096xf32> to vector<1x128xf32>
    %add3A_23 = arith.addf %add3A_21, %slice3A_22 : vector<1x128xf32>
    %slice3A_24 = vector.extract_strided_slice %exp3A {offsets = [0, 1024], sizes = [1, 128], strides = [1, 1]} : vector<1x4096xf32> to vector<1x128xf32>
    %add3A_25 = arith.addf %add3A_23, %slice3A_24 : vector<1x128xf32>
    %slice3A_26 = vector.extract_strided_slice %exp3A {offsets = [0, 1152], sizes = [1, 128], strides = [1, 1]} : vector<1x4096xf32> to vector<1x128xf32>
    %add3A_27 = arith.addf %add3A_25, %slice3A_26 : vector<1x128xf32>
    %slice3A_28 = vector.extract_strided_slice %exp3A {offsets = [0, 1280], sizes = [1, 128], strides = [1, 1]} : vector<1x4096xf32> to vector<1x128xf32>
    %add3A_29 = arith.addf %add3A_27, %slice3A_28 : vector<1x128xf32>
    %slice3A_30 = vector.extract_strided_slice %exp3A {offsets = [0, 1408], sizes = [1, 128], strides = [1, 1]} : vector<1x4096xf32> to vector<1x128xf32>
    %add3A_31 = arith.addf %add3A_29, %slice3A_30 : vector<1x128xf32>
    %slice3A_32 = vector.extract_strided_slice %exp3A {offsets = [0, 1536], sizes = [1, 128], strides = [1, 1]} : vector<1x4096xf32> to vector<1x128xf32>
    %add3A_33 = arith.addf %add3A_31, %slice3A_32 : vector<1x128xf32>
    %slice3A_34 = vector.extract_strided_slice %exp3A {offsets = [0, 1664], sizes = [1, 128], strides = [1, 1]} : vector<1x4096xf32> to vector<1x128xf32>
    %add3A_35 = arith.addf %add3A_33, %slice3A_34 : vector<1x128xf32>
    %slice3A_36 = vector.extract_strided_slice %exp3A {offsets = [0, 1792], sizes = [1, 128], strides = [1, 1]} : vector<1x4096xf32> to vector<1x128xf32>
    %add3A_37 = arith.addf %add3A_35, %slice3A_36 : vector<1x128xf32>
    %slice3A_38 = vector.extract_strided_slice %exp3A {offsets = [0, 1920], sizes = [1, 128], strides = [1, 1]} : vector<1x4096xf32> to vector<1x128xf32>
    %add3A_39 = arith.addf %add3A_37, %slice3A_38 : vector<1x128xf32>
    %slice3A_40 = vector.extract_strided_slice %exp3A {offsets = [0, 2048], sizes = [1, 128], strides = [1, 1]} : vector<1x4096xf32> to vector<1x128xf32>
    %add3A_41 = arith.addf %add3A_39, %slice3A_40 : vector<1x128xf32>
    %slice3A_42 = vector.extract_strided_slice %exp3A {offsets = [0, 2176], sizes = [1, 128], strides = [1, 1]} : vector<1x4096xf32> to vector<1x128xf32>
    %add3A_43 = arith.addf %add3A_41, %slice3A_42 : vector<1x128xf32>
    %slice3A_44 = vector.extract_strided_slice %exp3A {offsets = [0, 2304], sizes = [1, 128], strides = [1, 1]} : vector<1x4096xf32> to vector<1x128xf32>
    %add3A_45 = arith.addf %add3A_43, %slice3A_44 : vector<1x128xf32>
    %slice3A_46 = vector.extract_strided_slice %exp3A {offsets = [0, 2432], sizes = [1, 128], strides = [1, 1]} : vector<1x4096xf32> to vector<1x128xf32>
    %add3A_47 = arith.addf %add3A_45, %slice3A_46 : vector<1x128xf32>
    %slice3A_48 = vector.extract_strided_slice %exp3A {offsets = [0, 2560], sizes = [1, 128], strides = [1, 1]} : vector<1x4096xf32> to vector<1x128xf32>
    %add3A_49 = arith.addf %add3A_47, %slice3A_48 : vector<1x128xf32>
    %slice3A_50 = vector.extract_strided_slice %exp3A {offsets = [0, 2688], sizes = [1, 128], strides = [1, 1]} : vector<1x4096xf32> to vector<1x128xf32>
    %add3A_51 = arith.addf %add3A_49, %slice3A_50 : vector<1x128xf32>
    %slice3A_52 = vector.extract_strided_slice %exp3A {offsets = [0, 2816], sizes = [1, 128], strides = [1, 1]} : vector<1x4096xf32> to vector<1x128xf32>
    %add3A_53 = arith.addf %add3A_51, %slice3A_52 : vector<1x128xf32>
    %slice3A_54 = vector.extract_strided_slice %exp3A {offsets = [0, 2944], sizes = [1, 128], strides = [1, 1]} : vector<1x4096xf32> to vector<1x128xf32>
    %add3A_55 = arith.addf %add3A_53, %slice3A_54 : vector<1x128xf32>
    %slice3A_56 = vector.extract_strided_slice %exp3A {offsets = [0, 3072], sizes = [1, 128], strides = [1, 1]} : vector<1x4096xf32> to vector<1x128xf32>
    %add3A_57 = arith.addf %add3A_55, %slice3A_56 : vector<1x128xf32>
    %slice3A_58 = vector.extract_strided_slice %exp3A {offsets = [0, 3200], sizes = [1, 128], strides = [1, 1]} : vector<1x4096xf32> to vector<1x128xf32>
    %add3A_59 = arith.addf %add3A_57, %slice3A_58 : vector<1x128xf32>
    %slice3A_60 = vector.extract_strided_slice %exp3A {offsets = [0, 3328], sizes = [1, 128], strides = [1, 1]} : vector<1x4096xf32> to vector<1x128xf32>
    %add3A_61 = arith.addf %add3A_59, %slice3A_60 : vector<1x128xf32>
    %slice3A_62 = vector.extract_strided_slice %exp3A {offsets = [0, 3456], sizes = [1, 128], strides = [1, 1]} : vector<1x4096xf32> to vector<1x128xf32>
    %add3A_63 = arith.addf %add3A_61, %slice3A_62 : vector<1x128xf32>
    %slice3A_64 = vector.extract_strided_slice %exp3A {offsets = [0, 3584], sizes = [1, 128], strides = [1, 1]} : vector<1x4096xf32> to vector<1x128xf32>
    %add3A_65 = arith.addf %add3A_63, %slice3A_64 : vector<1x128xf32>
    %slice3A_66 = vector.extract_strided_slice %exp3A {offsets = [0, 3712], sizes = [1, 128], strides = [1, 1]} : vector<1x4096xf32> to vector<1x128xf32>
    %add3A_67 = arith.addf %add3A_65, %slice3A_66 : vector<1x128xf32>
    %slice3A_68 = vector.extract_strided_slice %exp3A {offsets = [0, 3840], sizes = [1, 128], strides = [1, 1]} : vector<1x4096xf32> to vector<1x128xf32>
    %add3A_69 = arith.addf %add3A_67, %slice3A_68 : vector<1x128xf32>
    %slice3A_70 = vector.extract_strided_slice %exp3A {offsets = [0, 3968], sizes = [1, 128], strides = [1, 1]} : vector<1x4096xf32> to vector<1x128xf32>
    %add3A_71 = arith.addf %add3A_69, %slice3A_70 : vector<1x128xf32>
    %slice3A_72 = vector.extract_strided_slice %add3A_71 {offsets = [0, 0], sizes = [1, 8], strides = [1, 1]} : vector<1x128xf32> to vector<1x8xf32>
    %slice3A_73 = vector.extract_strided_slice %add3A_71 {offsets = [0, 8], sizes = [1, 8], strides = [1, 1]} : vector<1x128xf32> to vector<1x8xf32>
    %add3A_74 = arith.addf %slice3A_72, %slice3A_73 : vector<1x8xf32>
    %slice3A_75 = vector.extract_strided_slice %add3A_71 {offsets = [0, 16], sizes = [1, 8], strides = [1, 1]} : vector<1x128xf32> to vector<1x8xf32>
    %add3A_76 = arith.addf %add3A_74, %slice3A_75 : vector<1x8xf32>
    %slice3A_77 = vector.extract_strided_slice %add3A_71 {offsets = [0, 24], sizes = [1, 8], strides = [1, 1]} : vector<1x128xf32> to vector<1x8xf32>
    %add3A_78 = arith.addf %add3A_76, %slice3A_77 : vector<1x8xf32>
    %slice3A_79 = vector.extract_strided_slice %add3A_71 {offsets = [0, 32], sizes = [1, 8], strides = [1, 1]} : vector<1x128xf32> to vector<1x8xf32>
    %add3A_80 = arith.addf %add3A_78, %slice3A_79 : vector<1x8xf32>
    %slice3A_81 = vector.extract_strided_slice %add3A_71 {offsets = [0, 40], sizes = [1, 8], strides = [1, 1]} : vector<1x128xf32> to vector<1x8xf32>
    %add3A_82 = arith.addf %add3A_80, %slice3A_81 : vector<1x8xf32>
    %slice3A_83 = vector.extract_strided_slice %add3A_71 {offsets = [0, 48], sizes = [1, 8], strides = [1, 1]} : vector<1x128xf32> to vector<1x8xf32>
    %add3A_84 = arith.addf %add3A_82, %slice3A_83 : vector<1x8xf32>
    %slice3A_85 = vector.extract_strided_slice %add3A_71 {offsets = [0, 56], sizes = [1, 8], strides = [1, 1]} : vector<1x128xf32> to vector<1x8xf32>
    %add3A_86 = arith.addf %add3A_84, %slice3A_85 : vector<1x8xf32>
    %slice3A_87 = vector.extract_strided_slice %add3A_71 {offsets = [0, 64], sizes = [1, 8], strides = [1, 1]} : vector<1x128xf32> to vector<1x8xf32>
    %add3A_88 = arith.addf %add3A_86, %slice3A_87 : vector<1x8xf32>
    %slice3A_89 = vector.extract_strided_slice %add3A_71 {offsets = [0, 72], sizes = [1, 8], strides = [1, 1]} : vector<1x128xf32> to vector<1x8xf32>
    %add3A_90 = arith.addf %add3A_88, %slice3A_89 : vector<1x8xf32>
    %slice3A_91 = vector.extract_strided_slice %add3A_71 {offsets = [0, 80], sizes = [1, 8], strides = [1, 1]} : vector<1x128xf32> to vector<1x8xf32>
    %add3A_92 = arith.addf %add3A_90, %slice3A_91 : vector<1x8xf32>
    %slice3A_93 = vector.extract_strided_slice %add3A_71 {offsets = [0, 88], sizes = [1, 8], strides = [1, 1]} : vector<1x128xf32> to vector<1x8xf32>
    %add3A_94 = arith.addf %add3A_92, %slice3A_93 : vector<1x8xf32>
    %slice3A_95 = vector.extract_strided_slice %add3A_71 {offsets = [0, 96], sizes = [1, 8], strides = [1, 1]} : vector<1x128xf32> to vector<1x8xf32>
    %add3A_96 = arith.addf %add3A_94, %slice3A_95 : vector<1x8xf32>
    %slice3A_97 = vector.extract_strided_slice %add3A_71 {offsets = [0, 104], sizes = [1, 8], strides = [1, 1]} : vector<1x128xf32> to vector<1x8xf32>
    %add3A_98 = arith.addf %add3A_96, %slice3A_97 : vector<1x8xf32>
    %slice3A_99 = vector.extract_strided_slice %add3A_71 {offsets = [0, 112], sizes = [1, 8], strides = [1, 1]} : vector<1x128xf32> to vector<1x8xf32>
    %add3A_100 = arith.addf %add3A_98, %slice3A_99 : vector<1x8xf32>
    %slice3A_101 = vector.extract_strided_slice %add3A_71 {offsets = [0, 120], sizes = [1, 8], strides = [1, 1]} : vector<1x128xf32> to vector<1x8xf32>
    %add3A_102 = arith.addf %add3A_100, %slice3A_101 : vector<1x8xf32>
    %slice3A_103 = vector.extract_strided_slice %add3A_102 {offsets = [0, 0], sizes = [1, 4], strides = [1, 1]} : vector<1x8xf32> to vector<1x4xf32>
    %slice3A_104 = vector.extract_strided_slice %add3A_102 {offsets = [0, 4], sizes = [1, 4], strides = [1, 1]} : vector<1x8xf32> to vector<1x4xf32>
    %add3A_105 = arith.addf %slice3A_103, %slice3A_104 : vector<1x4xf32>
    %slice3A_106 = vector.extract_strided_slice %add3A_105 {offsets = [0, 0], sizes = [1, 2], strides = [1, 1]} : vector<1x4xf32> to vector<1x2xf32>
    %slice3A_107 = vector.extract_strided_slice %add3A_105 {offsets = [0, 2], sizes = [1, 2], strides = [1, 1]} : vector<1x4xf32> to vector<1x2xf32>
    %add3A_108 = arith.addf %slice3A_106, %slice3A_107 : vector<1x2xf32>
    %slice3A_109 = vector.extract_strided_slice %add3A_108 {offsets = [0, 0], sizes = [1, 1], strides = [1, 1]} : vector<1x2xf32> to vector<1x1xf32>
    %slice3A_110 = vector.extract_strided_slice %add3A_108 {offsets = [0, 1], sizes = [1, 1], strides = [1, 1]} : vector<1x2xf32> to vector<1x1xf32>
    %add3A_111 = arith.addf %slice3A_109, %slice3A_110 : vector<1x1xf32>
    %div3A = arith.constant 1.000000e+00 : f32
    %div3A_112 = vector.broadcast %div3A : f32 to vector<1x1xf32>
    %div3A_113 = arith.divf %div3A_112, %add3A_111 : vector<1x1xf32>
    %mul3A = vector.broadcast %div3A_113 : vector<1x1xf32> to vector<1x4096xf32>
    %mul3A_114 = arith.mulf %exp3A, %mul3A : vector<1x4096xf32>
    %sub3A_115 = vector.broadcast %broadcast_in_dim3A : vector<1x1xf32> to vector<512x1xf32>
    %sub3A_116 = arith.subf %get3A_3, %sub3A_115 : vector<512x1xf32>
    %exp3A_117 = math.exp %sub3A_116 : vector<512x1xf32>
    %mul3A_118 = vector.broadcast %div3A_113 : vector<1x1xf32> to vector<512x1xf32>
    %mul3A_119 = arith.mulf %exp3A_117, %mul3A_118 : vector<512x1xf32>
    %iota3A = tpu.iota {dimensions = array<i32: 0>} : vector<512x4096xi32>
    %mul3A_120 = arith.constant 512 : i32
    %mul3A_121 = arith.muli %arg1, %mul3A_120 : i32
    %add3A_122 = vector.broadcast %mul3A_121 : i32 to vector<512x4096xi32>
    %add3A_123 = arith.addi %iota3A, %add3A_122 : vector<512x4096xi32>
    %iota3A_124 = tpu.iota {dimensions = array<i32: 1>} : vector<512x4096xi32>
    %gt3A = vector.broadcast %mul3A_114 : vector<1x4096xf32> to vector<512x4096xf32>
    %gt3A_125 = vector.broadcast %mul3A_119 : vector<512x1xf32> to vector<512x4096xf32>
    %gt3A_126 = arith.cmpf ogt, %gt3A, %gt3A_125 : vector<512x4096xf32>
    %eq3A = vector.broadcast %mul3A_114 : vector<1x4096xf32> to vector<512x4096xf32>
    %eq3A_127 = vector.broadcast %mul3A_119 : vector<512x1xf32> to vector<512x4096xf32>
    %eq3A_128 = arith.cmpf oeq, %eq3A, %eq3A_127 : vector<512x4096xf32>
    %lt3A = arith.cmpi slt, %iota3A_124, %add3A_123 : vector<512x4096xi32>
    %and3A = arith.andi %eq3A_128, %lt3A : vector<512x4096xi1>
    %or3A = arith.ori %gt3A_126, %and3A : vector<512x4096xi1>
    %convert_element_type3A = arith.extui %or3A : vector<512x4096xi1> to vector<512x4096xi32>
    %reduce_sum3A = arith.constant dense<0> : vector<512xi32>
    %reduce_sum3A_129 = vector.multi_reduction <add>, %convert_element_type3A, %reduce_sum3A [1] : vector<512x4096xi32> to vector<512xi32>
    %broadcast_in_dim3A_130 = vector.shape_cast %reduce_sum3A_129 : vector<512xi32> to vector<512x1xi32>
    %reshape3A = vector.shape_cast %broadcast_in_dim3A_130 : vector<512x1xi32> to vector<1x512x1xi32>
    %swap3A = arith.constant 0 : index
    %swap3A_131 = arith.constant 0 : index
    %swap3A_132 = arith.constant 0 : index
    %swap3A_133 = vector.load %arg4[%swap3A, %swap3A_131, %swap3A_132] : memref<1x512x1xi32, #tpu.memory_space<vmem>>, vector<1x512x1xi32>
    tpu.vector_store %arg4[%swap3A, %swap3A_131, %swap3A_132], %reshape3A {strides = array<i32>} : memref<1x512x1xi32, #tpu.memory_space<vmem>>, vector<1x512x1xi32>,
    return
  }
  func.func @transform_0(%arg0: i32, %arg1: i32) -> (i32, i32, i32) {
    %c0_i32 = arith.constant 0 : i32
    %c0_i32_0 = arith.constant 0 : i32
    return %arg0, %arg1, %c0_i32 : i32, i32, i32
  }
  func.func @transform_1(%arg0: i32, %arg1: i32) -> (i32, i32, i32) {
    %c0_i32 = arith.constant 0 : i32
    %c0_i32_0 = arith.constant 0 : i32
    %c0_i32_1 = arith.constant 0 : i32
    return %arg0, %c0_i32, %c0_i32_0 : i32, i32, i32
  }
  func.func @transform_2(%arg0: i32, %arg1: i32) -> (i32, i32, i32) {
    %c0_i32 = arith.constant 0 : i32
    %c0_i32_0 = arith.constant 0 : i32
    return %arg0, %arg1, %c0_i32 : i32, i32, i32
  }
}

module attributes {stable_mosaic.version = 14 : i64} {
  func.func @_perm_body(%arg0: i32, %arg1: i32, %arg2: memref<1x1x4096xi32, #tpu.memory_space<vmem>>, %arg3: memref<1x512x1xi32, #tpu.memory_space<vmem>>) attributes {dimension_semantics = [#tpu.dimension_semantics<arbitrary>, #tpu.dimension_semantics<arbitrary>], iteration_bounds = array<i64: 4, 2>, scalar_prefetch = 0 : i64, scratch_operands = 0 : i64, tpu.core_type = #tpu.core_type<tc>, window_params = [{transform_indices = @transform_0, window_bounds = array<i64: 1, 1, 4096>}, {transform_indices = @transform_1, window_bounds = array<i64: 1, 512, 1>}]} {
    %get3A = arith.constant 0 : index
    %get3A_0 = arith.constant 0 : index
    %get3A_1 = arith.constant 0 : index
    %get3A_2 = vector.load %arg2[%get3A, %get3A_0, %get3A_1] : memref<1x1x4096xi32, #tpu.memory_space<vmem>>, vector<1x1x4096xi32>
    %get3A_3 = vector.shape_cast %get3A_2 : vector<1x1x4096xi32> to vector<1x4096xi32>
    %iota3A = tpu.iota {dimensions = array<i32: 0>} : vector<512x4096xi32>
    %mul3A = arith.constant 512 : i32
    %mul3A_4 = arith.muli %arg1, %mul3A : i32
    %add3A = vector.broadcast %mul3A_4 : i32 to vector<512x4096xi32>
    %add3A_5 = arith.addi %iota3A, %add3A : vector<512x4096xi32>
    %iota3A_6 = tpu.iota {dimensions = array<i32: 1>} : vector<512x4096xi32>
    %eq3A = vector.broadcast %get3A_3 : vector<1x4096xi32> to vector<512x4096xi32>
    %eq3A_7 = arith.cmpi eq, %eq3A, %add3A_5 : vector<512x4096xi32>
    %convert_element_type3A = arith.extui %eq3A_7 : vector<512x4096xi1> to vector<512x4096xi32>
    %mul3A_8 = arith.muli %convert_element_type3A, %iota3A_6 : vector<512x4096xi32>
    %reduce_sum3A = arith.constant dense<0> : vector<512xi32>
    %reduce_sum3A_9 = vector.multi_reduction <add>, %mul3A_8, %reduce_sum3A [1] : vector<512x4096xi32> to vector<512xi32>
    %broadcast_in_dim3A = vector.shape_cast %reduce_sum3A_9 : vector<512xi32> to vector<512x1xi32>
    %mul3A_10 = arith.constant 4096 : i32
    %mul3A_11 = arith.muli %arg0, %mul3A_10 : i32
    %add3A_12 = vector.broadcast %mul3A_11 : i32 to vector<512x1xi32>
    %add3A_13 = arith.addi %broadcast_in_dim3A, %add3A_12 : vector<512x1xi32>
    %reshape3A = vector.shape_cast %add3A_13 : vector<512x1xi32> to vector<1x512x1xi32>
    %swap3A = arith.constant 0 : index
    %swap3A_14 = arith.constant 0 : index
    %swap3A_15 = arith.constant 0 : index
    %swap3A_16 = vector.load %arg3[%swap3A, %swap3A_14, %swap3A_15] : memref<1x512x1xi32, #tpu.memory_space<vmem>>, vector<1x512x1xi32>
    tpu.vector_store %arg3[%swap3A, %swap3A_14, %swap3A_15], %reshape3A {strides = array<i32>} : memref<1x512x1xi32, #tpu.memory_space<vmem>>, vector<1x512x1xi32>,
    return
  }
  func.func @transform_0(%arg0: i32, %arg1: i32) -> (i32, i32, i32) {
    %c0_i32 = arith.constant 0 : i32
    %c0_i32_0 = arith.constant 0 : i32
    %c0_i32_1 = arith.constant 0 : i32
    return %arg0, %c0_i32, %c0_i32_0 : i32, i32, i32
  }
  func.func @transform_1(%arg0: i32, %arg1: i32) -> (i32, i32, i32) {
    %c0_i32 = arith.constant 0 : i32
    %c0_i32_0 = arith.constant 0 : i32
    return %arg0, %arg1, %c0_i32 : i32, i32, i32
  }
}

</mosaic_0001>

<sc_bundles>
// kernel: kernel.6.cloned.1.call-start
scs
__scs_entry_jumppad:
0x0: {  	(pc) =	sbr.rel $0x88, $3  }
0x1: {  	(tag) =	ssettag $0x0;
	lr =	simm.s32 $0x1  }
0x2: {  	[smem:$0x3F9A] =	sst lr;
	_ =	strace $0xD0000000  }
0x3: {  	_ = 	snop  }
0x4: {  	_ = 	snop  }
0x5: {  	_ = 	snop  }
0x6: {  	_ = 	snop  }
0x7: {  	_ = 	snop  }
__scs_overlays_trampoline_lowered:
0x8: {  	[smem:$0x3FA9] =	sst s0  }
0x9: {  	[smem:$0x3FAA] =	sst s1  }
0xa: {  	[smem:$0x3FAB] =	sst s2  }
0xb: {  	[smem:$0x3FAC] =	sst s3  }
0xc: {  	[smem:$0x3FAD] =	sst s4  }
0xd: {  	[smem:$0x3FAE] =	sst s5  }
0xe: {  	[smem:$0x3FAF] =	sst s6  }
0xf: {  	[smem:$0x3FB0] =	sst s7  }
0x10: {  	[smem:$0x3FB1] =	sst s8  }
0x11: {  	[smem:$0x3FB2] =	sst s9;
	s0 =	simm.s32 @!p0 $0x0  }
0x12: {  	s1 =	sld [smem:$0x3F98];
	s0 =	simm.s32 @p0 $0x1  }
0x13: {  	[smem:$0x3FB3] =	sst s0;
	s0 =	simm.s32 @!p1 $0x0  }
0x14: {  	s2 =	sld [smem:$0x3F97];
	s0 =	simm.s32 @p1 $0x1  }
0x15: {  	[smem:$0x3FB4] =	sst s0;
	s0 =	simm.s32 @!p2 $0x0  }
0x16: {  	s3 =	sld [smem:$0x3FDB];
	s0 =	simm.s32 @p2 $0x1  }
0x17: {  	s4 =	simm.s32 $0x1BF5;
	[smem:$0x3FB6] =	sst s0  }
0x18: {  	s0 =	sld [smem:$0x3F99];
	_ =	swait.ge [sflag:s4], $0x0  }
0x19: {  	s7 =	sld [smem:$0x3F9A]  }
0x1a: {  	s8 =	sadd.s32 $0xFFFFE003, lr  }
0x1b: {  	s9 =	sadd.s32 $0xFFFFFEF7, lr;
	s5 =	simm.s32 $0xFFFFFFFF;
	p2 =	slt.u32 s8, $0xFFFFF086  }
0x1c: {  	p1 =	slt.u32 s9, $0xF7A;
	s5 =	simm.s32 @!p2 $0x0  }
0x1d: {  	s5 =	simm.s32 @p1 $0x1;
	p0 =	seq.s32 s7, s2  }
0x1e: {  	s7 =	smul.u32 @!p0 $0xF7A, s2;
	p2 =	seq.s32 @!p0 s5, $0x0  }
0x1f: {  	s9 =	smul.u32 $0xF7A, s1;
	s8 =	simm.s32 @!p0 $0x1BF5;
	p2 =	por !p2, p0  }
0x20: {  	[sflag:s8] =	ssyncset.s32 @!p0 $0xFFFFF086;
	s6 =	sadd.s32 @!p0 s3, s7;
	s7 =	simm.s32 @!p0 $0x108  }
0x21: {  	s3 =	sadd.s32 s3, s9;
	s6 =	sadd.s32 @!p0 $0x88, s6;
	s7 =	simm.s32 @p2 $0x1082  }
0x22: {  	[simem:s7], [sflag:s8] =	dma.local @!p0 [hbm:s6], $0xF7A  }
0x23: {  	s9 =	sor.u32 $0xD0000000, s2;
	s6 =	simm.s32 $0x108;
	_ =	swait.ge @!p0 [sflag:s8], $0x0  }
0x24: {  	s3 =	sadd.s32 $0x88, s3;
	s6 =	simm.s32 @!p1 $0x1082;
	[sflag:s4] =	ssyncset.s32 $0xFFFFF086  }
0x25: {  	[simem:s6], [sflag:s4] =	dma.local [hbm:s3], $0xF7A  }
0x26: {  	[smem:$0x3F9A] =	sst s1;
	(tag) =	ssettag s2;
	_ =	strace s9  }
0x27: {  	s1 =	sld [smem:$0x3FAA]  }
0x28: {  	s2 =	sld [smem:$0x3FAB]  }
0x29: {  	s4 =	sld [smem:$0x3FAD]  }
0x2a: {  	p0 =	seq.s32 s5, $0x0;
	s5 =	sld [smem:$0x3FAE]  }
0x2b: {  	s6 =	sld [smem:$0x3FAF]  }
0x2c: {  	s7 =	sld [smem:$0x3FB0]  }
0x2d: {  	s3 =	simm.s32 $0x108;
	s8 =	sld [smem:$0x3FB1]  }
0x2e: {  	s3 =	simm.s32 @!p0 $0x1082;
	s9 =	sld [smem:$0x3FB2]  }
0x2f: {  	lr =	sadd.s32 s0, s3;
	s0 =	sld [smem:$0x3FA9]  }
0x30: {  	s3 =	sld [smem:$0x3FAC]  }
0x31: {  	[smem:$0x3FB5] =	sst s10  }
0x32: {  	s10 =	sld [smem:$0x3FB3];
	_ =	sdelay $0x3  }
0x33: {  	p0 =	seq.s32 s10, $0x1;
	s10 =	sld [smem:$0x3FB5];
	_ =	sdelay $0x3  }
0x34: {  	[smem:$0x3FB5] =	sst s10  }
0x35: {  	s10 =	sld [smem:$0x3FB4];
	_ =	sdelay $0x3  }
0x36: {  	p1 =	seq.s32 s10, $0x1;
	s10 =	sld [smem:$0x3FB5];
	_ =	sdelay $0x3  }
0x37: {  	[smem:$0x3FB5] =	sst s10  }
0x38: {  	s10 =	sld [smem:$0x3FB6]  }
0x39: {  	_ = 	snop;
	(pc) =	sbr.ind lr, $3  }
0x3a: {  	_ = 	snop  }
0x3b: {  	_ = 	snop  }
0x3c: {  	p2 =	seq.s32 s10, $0x1;
	s10 =	sld [smem:$0x3FB5]  }
0x3d: {  	_ =	shalt  }
0x3e: {  	_ =	shalt  }
0x3f: {  	_ =	shalt  }
0x40: {  	_ =	shalt  }
0x41: {  	_ =	shalt  }
0x42: {  	_ =	shalt  }
0x43: {  	_ =	shalt  }
0x44: {  	_ =	shalt  }
0x45: {  	_ =	shalt  }
0x46: {  	_ =	shalt  }
0x47: {  	_ =	shalt  }
0x48: {  	_ =	shalt  }
0x49: {  	_ =	shalt  }
0x4a: {  	_ =	shalt  }
0x4b: {  	_ =	shalt  }
0x4c: {  	_ =	shalt  }
0x4d: {  	_ =	shalt  }
0x4e: {  	_ =	shalt  }
0x4f: {  	_ =	shalt  }
0x50: {  	_ =	shalt  }
0x51: {  	_ =	shalt  }
0x52: {  	_ =	shalt  }
0x53: {  	_ =	shalt  }
0x54: {  	_ =	shalt  }
0x55: {  	_ =	shalt  }
0x56: {  	_ =	shalt  }
0x57: {  	_ =	shalt  }
0x58: {  	_ =	shalt  }
0x59: {  	_ =	shalt  }
0x5a: {  	_ =	shalt  }
0x5b: {  	_ =	shalt  }
0x5c: {  	_ =	shalt  }
0x5d: {  	_ =	shalt  }
0x5e: {  	_ =	shalt  }
0x5f: {  	_ =	shalt  }
0x60: {  	_ =	shalt  }
0x61: {  	_ =	shalt  }
0x62: {  	_ =	shalt  }
0x63: {  	_ =	shalt  }
0x64: {  	_ =	shalt  }
0x65: {  	_ =	shalt  }
0x66: {  	_ =	shalt  }
0x67: {  	_ =	shalt  }
0x68: {  	_ =	shalt  }
0x69: {  	_ =	shalt  }
0x6a: {  	_ =	shalt  }
0x6b: {  	_ =	shalt  }
0x6c: {  	_ =	shalt  }
0x6d: {  	_ =	shalt  }
0x6e: {  	_ =	shalt  }
0x6f: {  	_ =	shalt  }
0x70: {  	_ =	shalt  }
0x71: {  	_ =	shalt  }
0x72: {  	_ =	shalt  }
0x73: {  	_ =	shalt  }
0x74: {  	_ =	shalt  }
0x75: {  	_ =	shalt  }
0x76: {  	_ =	shalt  }
0x77: {  	_ =	shalt  }
0x78: {  	_ =	shalt  }
0x79: {  	_ =	shalt  }
0x7a: {  	_ =	shalt  }
0x7b: {  	_ =	shalt  }
0x7c: {  	_ =	shalt  }
0x7d: {  	_ =	shalt  }
0x7e: {  	_ =	shalt  }
0x7f: {  	_ =	shalt  }
0x80: {  	_ =	shalt  }
0x81: {  	_ =	shalt  }
0x82: {  	_ =	shalt  }
0x83: {  	_ =	shalt  }
0x84: {  	_ =	shalt  }
0x85: {  	_ =	shalt  }
0x86: {  	_ =	shalt  }
0x87: {  	_ =	shalt  }
.Lfunc_end0:
.L_simem_size_0:
called_computation_lowered:
.L_overlay_start_0:
0x88: {  	s2 =	sld [smem:$0x3FD9]  }
0x89: {  	s3 =	sld [smem:$0x3FFE];
	_ =	sdelay $0x1  }
0x8a: {  	s1 =	srdreg.scid  }
0x8b: {  	s0 =	sand.u32 $0x1, s1  }
0x8c: {  	s17 =	sshll.u32 s0, $0xA;
	s2 =	sadd.s32 s3, s2  }
0x8d: {  	s2 =	sadd.s32 s2, s17  }
0x8e: {  	[smem:$0x3FC1] =	sst s2  }
0x8f: {  	_ = 	snop  }
0x90: {  	s2 =	sld [smem:$0x3FC9]  }
0x91: {  	s18 =	sld [smem:$0x3FD0];
	(tm) =	ssettm $0x1  }
0x92: {  	s4 =	sld [smem:$0x3FFB];
	_ =	sdelay $0x3  }
0x93: {  	_ =	strace s4  }
0x94: {  	s4 =	sld [smem:$0x3FFC];
	_ =	sdelay $0x3  }
0x95: {  	_ =	strace s4  }
0x96: {  	s4 =	sld [smem:$0x3FFD];
	_ =	sdelay $0x3  }
0x97: {  	_ =	strace s4  }
0x98: {  	_ =	strace $0x8FFFFFFF  }
0x99: {  	s19 =	sld [smem:$0x3FDB];
	_ =	sdelay $0x1  }
0x9a: {  	s5 =	simm.s32 $_scs_section_size  }
0x9b: {  	s6 =	simm.s32 $_size__tile_overlayer_lowered;
	s7 =	simm.s32 $_tile_overlayer_lowered  }
0x9c: {  	s22 =	simm.s32 $0x1BFF;
	s21 =	sshll.u32 s7, $0x1;
	s4 =	sadd.s32 s5, s19  }
0x9d: {  	s8 =	simm.s32 $0x0;
	s20 =	sshll.u32 s6, $0x1;
	s6 =	sadd.s32 s21, s4  }
0x9e: {  	[timem:s8], [sflag:s22] =	dma.local [hbm:s6], s20  }
0x9f: {  	_ =	swait.ge [sflag:s22], s20  }
0xa0: {  	s5 =	ssub.s32 $0x0, s20;
	[sflag:s22] =	ssyncset.done $0x0  }
0xa1: {  	[sflag:s22] =	ssyncadd.s32 s5;
	_ =	sdelay $0x1  }
0xa2: {  	s23 =	simm.s32 $0x1B8B  }
0xa3: {  	_ =	swait.ge [sflag:s23], $0x1  }
0xa4: {  	[sflag:s23] =	ssyncset.done $0x0  }
0xa5: {  	s25 =	simm.s32 $0x1B8E;
	s24 =	sld [smem:$0x3FFE];
	[sflag:s23] =	ssyncadd.s32 $0xFFFFFFFF  }
0xa6: {  	s26 =	simm.s32 $execute0_lowered;
	[smem:$0x3FD2] =	sst s25  }
0xa7: {  	s6 =	sshll.u32 s26, $0x1;
	_ =	strace $0x80000046;
	[dreg:$0x1] =	wrdreg $0xFFFFFFFF  }
0xa8: {  	s28 =	simm.s32 $_size_execute0_lowered;
	s4 =	sadd.s32 s4, s6;
	[dreg:$0x0] =	wrdreg $0x0  }
0xa9: {  	s6 =	sshll.u32 s28, $0x1;
	[dreg:$0x2] =	wrdreg s4  }
0xaa: {  	[dreg:$0x3] =	wrdreg s6  }
0xab: {  	[dreg:$0x4] =	wrdreg $0xC0  }
0xac: {  	_ =	task [dreg:s8], $0x5FFFF  }
0xad: {  	[dreg:$0x1] =	wrdreg $0xFFFFFFFF  }
0xae: {  	[dreg:$0x0] =	wrdreg $0x60  }
0xaf: {  	[dreg:$0x2] =	wrdreg s2  }
0xb0: {  	[dreg:$0x3] =	wrdreg s24  }
0xb1: {  	[dreg:$0x4] =	wrdreg s18  }
0xb2: {  	[dreg:$0x5] =	wrdreg $0x9  }
0xb3: {  	_ =	task.clear_ibuf [dreg:s8], $0x6FFFF;
	_ =	strace $0x90000046  }
0xb4: {  	s29 =	simm.s32 $0x9;
	_ =	strace $0x80000048  }
0xb5: {  	_ =	swait.ge [sflag:s29], $0x1  }
0xb6: {  	[sflag:s29] =	ssyncadd.s32 $0xFFFFFFFF  }
0xb7: {  	_ =	strace $0x90000048  }
0xb8: {  	_ =	sfence  }
0xb9: {  	s30 =	sld [smem:$0x0];
	_ =	sdelay $0x2  }
0xba: {  	s31 =	sshll.u32 s1, $0xD;
	s1 =	sshrl.u32 s1, $0x2  }
0xbb: {  	s3 =	sand.u32 $0x4000, s31;
	s1 =	sadd.s32 s1, s30  }
0xbc: {  	s0 =	sor.u32 s3, s0;
	s1 =	sshll.u32 s1, $0x11  }
0xbd: {  	s0 =	sor.u32 s1, s0  }
0xbe: {  	s0 =	sadd.s32 $0x8F2B, s0  }
0xbf: {  	[sflag:s0] =	ssyncadd.remote.s32 $0x1  }
0xc0: {  	_ =	sfence.sel $0xFFFF  }
0xc1: {  	[dreg:$0x0] =	wrdreg $0xFFFFFFFF;
	(pc) =	sbr.abs _section_cstart, $3  }
0xc2: {  	[dreg:$0x1] =	wrdreg $0xFFFFFFFF  }
0xc3: {  	_ =	task.clear_ibuf [dreg:s8], $0x2FFFF;
	_ =	strace $0x9FFFFFFF  }
0xc4: {  	(tm) =	ssettm $0x7FFFFFFF  }
0xc5: {  	_ =	shalt  }
tec
execute0_lowered:
.L_overlay_start_1:
0x0: {  	(tag) =	ssettag $0x1  }
0x1: {  	s2 =	rddreg [dreg:$0x0]  }
0x2: {  	s0 =	rddreg [dreg:$0x1];
	s1 =	srdreg.scid  }
0x3: {  	s7 =	rddreg [dreg:$0x2];
	s3 =	stileid.u32;
	s13 =	simm.s32 $0x2  }
0x4: {  	s14 =	simm.s32 $0x80;
	s28 =	simm.s32 $0x1;
	s30 =	simm.s32 $0x880  }
0x5: {  	s31 =	simm.s32 $0x1080;
	s15 =	simm.s32 $0x3080;
	s16 =	simm.s32 $0x3880  }
0x6: {  	s17 =	simm.s32 $0x4080;
	s18 =	simm.s32 $0x4880;
	s19 =	simm.s32 $0x5080  }
0x7: {  	s20 =	simm.s32 $0x5880;
	s21 =	simm.s32 $0x6080;
	s22 =	simm.s32 $0x6880  }
0x8: {  	s23 =	simm.s32 $0x7080;
	s1 =	sand.u32 $0x1, s1;
	s4 =	sshll.u32 s3, $0x8  }
0x9: {  	s3 =	simm.s32 $0x0;
	s8 =	sadd.s32 $0x400, s2;
	s9 =	sadd.s32 $0x500, s2  }
0xa: {  	s10 =	sadd.s32 $0x600, s2;
	s11 =	sadd.s32 $0x700, s2;
	s5 =	sshll.u32 s1, $0x7  }
0xb: {  	s1 =	ssub.s32 $0x2, s1;
	[smem:$0x7FF] =	sst s3;
	s5 =	sor.u32 s5, s4  }
0xc: {  	s24 =	sshrl.u32 s1, $0x1;
	_ =	strace $0x80000047;
	s4 =	sadd.s32 $0x100, s2  }
0xd: {  	s6 =	sshrl.u32 s5, $0x3;
	s1 =	ssub.s32 s1, s24;
	s25 =	sshll.u32 s5, $0x8  }
0xe: {  	s5 =	sadd.s32 $0x200, s2;
	s24 =	simm.s32 $0x7880;
	s0 =	sadd.s32 s0, s6  }
0xf: {  	s6 =	sadd.s32 $0x300, s2;
	s7 =	sadd.s32 s7, s25;
	[dreg:$0x4] =	wrdreg s0  }
0x10: {  	s12 =	smax.u32 s1, $0x1;
	s0 =	sadd.s32 $0x2000, s7;
	[dreg:$0x8] =	wrdreg s7  }
0x11: {  	v2 =	vlaneseq.u32;
	s1 =	simm.s32 $0x2080;
	s26 =	sadd.s32 $0x4000, s7;
	[dreg:$0x5] =	wrdreg s0  }
0x12: {  	vm0 =	vmmov $0xffff;
	v1 =	vshrl.u32 v2, $0x3;
	s25 =	simm.s32 $0x8080;
	s29 =	sadd.s32 $0x6000, s7;
	[dreg:$0x6] =	wrdreg s26  }
0x13: {  	v0 =	vand.u32 $0x7, v2;
	v2 =	vor.u32 $0x8, v2;
	v1 =	vmul.u32 $0x8, v1;
	s7 =	simm.s32 $0x2880;
	[dreg:$0x7] =	wrdreg s29;
	s26 =	simm.s32 $0x8880  }
.LBB2_1:
0x14: {  	s29 =	rddreg [dreg:$0x4]  }
0x15: {  	[tilespmem:s3], [sflag:$0x2] =	stream.linear.gather [hbm4b:s29+s3], $0x80, $0x38;
	[tilespmem:$0x10080] =	vst v63  }
0x16: {  	_ =	swait.ge [sflag:s13], $0x80  }
0x17: {  	[sflag:s13] =	ssyncset.done $0x0  }
0x18: {  	[sflag:s13] =	ssyncadd.s32 $0xFFFFFF80  }
0x19: {  	v3 =	vld [tilespmem:$0x0];
	_ =	sdelay $0x4  }
0x1a: {  	v4 =	vshll.u32 v3, $0x4  }
0x1b: {  	v3 =	vand.u32 $0x7, v3;
	v4 =	vand.u32 $0xFFFFFF80, v4  }
0x1c: {  	v3 =	vor.u32 v3, v4  }
0x1d: {  	v4 =	vperm.xlane v3, v0;
	_ =	sdelay $0x1  }
0x1e: {  	v4 =	vadd.s32 v1, v4;
	_ =	sdelay $0x4  }
0x1f: {  	[tilespmem:s14], [sflag:$0x1] =	stream.indirect_vreg.gather [hbm4b:s2+s3], $0x80, v4, vm0, $0xb8;
	[tilespmem:$0x10080] =	vst v63  }
0x20: {  	_ = 	snop  }
0x21: {  	[tilespmem:s30], [sflag:$0x1] =	stream.indirect_vreg.gather [hbm4b:s4+s3], $0x80, v4, vm0, $0xb8;
	[tilespmem:$0x10080] =	vst v63  }
0x22: {  	_ = 	snop  }
0x23: {  	[tilespmem:s31], [sflag:$0x1] =	stream.indirect_vreg.gather [hbm4b:s5+s3], $0x80, v4, vm0, $0xb8;
	[tilespmem:$0x10080] =	vst v63  }
0x24: {  	s0 =	simm.s32 $0x1880  }
0x25: {  	[tilespmem:s0], [sflag:$0x1] =	stream.indirect_vreg.gather [hbm4b:s6+s3], $0x80, v4, vm0, $0xb8;
	[tilespmem:$0x10080] =	vst v63  }
0x26: {  	_ = 	snop  }
0x27: {  	[tilespmem:s1], [sflag:$0x1] =	stream.indirect_vreg.gather [hbm4b:s8+s3], $0x80, v4, vm0, $0xb8;
	[tilespmem:$0x10080] =	vst v63  }
0x28: {  	v3 =	vperm.xlane v3, v2  }
0x29: {  	[tilespmem:s7], [sflag:$0x1] =	stream.indirect_vreg.gather [hbm4b:s9+s3], $0x80, v4, vm0, $0xb8;
	[tilespmem:$0x10080] =	vst v63  }
0x2a: {  	v3 =	vadd.s32 v1, v3  }
0x2b: {  	[tilespmem:s15], [sflag:$0x1] =	stream.indirect_vreg.gather [hbm4b:s10+s3], $0x80, v4, vm0, $0xb8;
	[tilespmem:$0x10080] =	vst v63  }
0x2c: {  	_ = 	snop  }
0x2d: {  	[tilespmem:s16], [sflag:$0x1] =	stream.indirect_vreg.gather [hbm4b:s11+s3], $0x80, v4, vm0, $0xb8;
	[tilespmem:$0x10080] =	vst v63  }
0x2e: {  	_ = 	snop  }
0x2f: {  	[tilespmem:s17], [sflag:$0x1] =	stream.indirect_vreg.gather [hbm4b:s2+s3], $0x80, v3, vm0, $0xb8;
	[tilespmem:$0x10080] =	vst v63  }
0x30: {  	_ = 	snop  }
0x31: {  	[tilespmem:s18], [sflag:$0x1] =	stream.indirect_vreg.gather [hbm4b:s4+s3], $0x80, v3, vm0, $0xb8;
	[tilespmem:$0x10080] =	vst v63  }
0x32: {  	_ = 	snop  }
0x33: {  	[tilespmem:s19], [sflag:$0x1] =	stream.indirect_vreg.gather [hbm4b:s5+s3], $0x80, v3, vm0, $0xb8;
	[tilespmem:$0x10080] =	vst v63  }
0x34: {  	_ = 	snop  }
0x35: {  	[tilespmem:s20], [sflag:$0x1] =	stream.indirect_vreg.gather [hbm4b:s6+s3], $0x80, v3, vm0, $0xb8;
	[tilespmem:$0x10080] =	vst v63  }
0x36: {  	_ = 	snop  }
0x37: {  	[tilespmem:s21], [sflag:$0x1] =	stream.indirect_vreg.gather [hbm4b:s8+s3], $0x80, v3, vm0, $0xb8;
	[tilespmem:$0x10080] =	vst v63  }
0x38: {  	_ = 	snop  }
0x39: {  	[tilespmem:s22], [sflag:$0x1] =	stream.indirect_vreg.gather [hbm4b:s9+s3], $0x80, v3, vm0, $0xb8;
	[tilespmem:$0x10080] =	vst v63  }
0x3a: {  	_ = 	snop  }
0x3b: {  	[tilespmem:s23], [sflag:$0x1] =	stream.indirect_vreg.gather [hbm4b:s10+s3], $0x80, v3, vm0, $0xb8;
	[tilespmem:$0x10080] =	vst v63  }
0x3c: {  	_ = 	snop  }
0x3d: {  	[tilespmem:s24], [sflag:$0x1] =	stream.indirect_vreg.gather [hbm4b:s11+s3], $0x80, v3, vm0, $0xb8;
	[tilespmem:$0x10080] =	vst v63  }
0x3e: {  	v3 =	vld [tilespmem:$0x10];
	_ =	sdelay $0x4  }
0x3f: {  	v57 =	vshll.u32 v3, $0x4  }
0x40: {  	v3 =	vand.u32 $0x7, v3;
	v4 =	vand.u32 $0xFFFFFF80, v57  }
0x41: {  	v3 =	vor.u32 v3, v4  }
0x42: {  	v4 =	vperm.xlane v3, v0;
	_ =	sdelay $0x1  }
0x43: {  	v4 =	vadd.s32 v1, v4;
	_ =	sdelay $0x4  }
0x44: {  	[tilespmem:s25], [sflag:$0x1] =	stream.indirect_vreg.gather [hbm4b:s2+s3], $0x80, v4, vm0, $0xb8;
	[tilespmem:$0x10080] =	vst v63  }
0x45: {  	_ = 	snop  }
0x46: {  	[tilespmem:s26], [sflag:$0x1] =	stream.indirect_vreg.gather [hbm4b:s4+s3], $0x80, v4, vm0, $0xb8;
	[tilespmem:$0x10080] =	vst v63  }
0x47: {  	s29 =	simm.s32 $0x9080  }
0x48: {  	[tilespmem:s29], [sflag:$0x1] =	stream.indirect_vreg.gather [hbm4b:s5+s3], $0x80, v4, vm0, $0xb8;
	[tilespmem:$0x10080] =	vst v63  }
0x49: {  	s29 =	simm.s32 $0x9880  }
0x4a: {  	[tilespmem:s29], [sflag:$0x1] =	stream.indirect_vreg.gather [hbm4b:s6+s3], $0x80, v4, vm0, $0xb8;
	[tilespmem:$0x10080] =	vst v63  }
0x4b: {  	s29 =	simm.s32 $0xA080  }
0x4c: {  	[tilespmem:s29], [sflag:$0x1] =	stream.indirect_vreg.gather [hbm4b:s8+s3], $0x80, v4, vm0, $0xb8;
	[tilespmem:$0x10080] =	vst v63  }
0x4d: {  	v3 =	vperm.xlane v3, v2;
	s29 =	simm.s32 $0xA880  }
0x4e: {  	[tilespmem:s29], [sflag:$0x1] =	stream.indirect_vreg.gather [hbm4b:s9+s3], $0x80, v4, vm0, $0xb8;
	[tilespmem:$0x10080] =	vst v63  }
0x4f: {  	v3 =	vadd.s32 v1, v3;
	s29 =	simm.s32 $0xB080  }
0x50: {  	[tilespmem:s29], [sflag:$0x1] =	stream.indirect_vreg.gather [hbm4b:s10+s3], $0x80, v4, vm0, $0xb8;
	[tilespmem:$0x10080] =	vst v63  }
0x51: {  	s29 =	simm.s32 $0xB880  }
0x52: {  	[tilespmem:s29], [sflag:$0x1] =	stream.indirect_vreg.gather [hbm4b:s11+s3], $0x80, v4, vm0, $0xb8;
	[tilespmem:$0x10080] =	vst v63  }
0x53: {  	s29 =	simm.s32 $0xC080  }
0x54: {  	[tilespmem:s29], [sflag:$0x1] =	stream.indirect_vreg.gather [hbm4b:s2+s3], $0x80, v3, vm0, $0xb8;
	[tilespmem:$0x10080] =	vst v63  }
0x55: {  	s29 =	simm.s32 $0xC880  }
0x56: {  	[tilespmem:s29], [sflag:$0x1] =	stream.indirect_vreg.gather [hbm4b:s4+s3], $0x80, v3, vm0, $0xb8;
	[tilespmem:$0x10080] =	vst v63  }
0x57: {  	s29 =	simm.s32 $0xD080  }
0x58: {  	[tilespmem:s29], [sflag:$0x1] =	stream.indirect_vreg.gather [hbm4b:s5+s3], $0x80, v3, vm0, $0xb8;
	[tilespmem:$0x10080] =	vst v63  }
0x59: {  	s29 =	simm.s32 $0xD880  }
0x5a: {  	[tilespmem:s29], [sflag:$0x1] =	stream.indirect_vreg.gather [hbm4b:s6+s3], $0x80, v3, vm0, $0xb8;
	[tilespmem:$0x10080] =	vst v63  }
0x5b: {  	s29 =	simm.s32 $0xE080  }
0x5c: {  	[tilespmem:s29], [sflag:$0x1] =	stream.indirect_vreg.gather [hbm4b:s8+s3], $0x80, v3, vm0, $0xb8;
	[tilespmem:$0x10080] =	vst v63  }
0x5d: {  	s29 =	simm.s32 $0xE880  }
0x5e: {  	[tilespmem:s29], [sflag:$0x1] =	stream.indirect_vreg.gather [hbm4b:s9+s3], $0x80, v3, vm0, $0xb8;
	[tilespmem:$0x10080] =	vst v63  }
0x5f: {  	s29 =	simm.s32 $0xF080  }
0x60: {  	[tilespmem:s29], [sflag:$0x1] =	stream.indirect_vreg.gather [hbm4b:s10+s3], $0x80, v3, vm0, $0xb8;
	[tilespmem:$0x10080] =	vst v63  }
0x61: {  	s29 =	simm.s32 $0xF880  }
0x62: {  	[tilespmem:s29], [sflag:$0x1] =	stream.indirect_vreg.gather [hbm4b:s11+s3], $0x80, v3, vm0, $0xb8;
	[tilespmem:$0x10080] =	vst v63  }
0x63: {  	_ =	swait.ge [sflag:s28], $0x10000  }
0x64: {  	[sflag:s28] =	ssyncset.done $0x0  }
0x65: {  	s29 =	rddreg [dreg:$0x8];
	[sflag:s28] =	ssyncadd.s32 $0xFFFF0000  }
0x66: {  	[hbm4b:s29+s3] =	stream.linear.scatter [tilespmem:s14], [sflag:$0x2], $0x10000, $0x38;
	[tilespmem:$0x10080] =	vst v63  }
0x67: {  	_ =	swait.ge [sflag:s13], $0x10000  }
0x68: {  	[sflag:s13] =	ssyncset.done $0x0  }
0x69: {  	[sflag:s13] =	ssyncadd.s32 $0xFFFF0000  }
0x6a: {  	v3 =	vld [tilespmem:$0x20];
	_ =	sdelay $0x4  }
0x6b: {  	v58 =	vshll.u32 v3, $0x4  }
0x6c: {  	v3 =	vand.u32 $0x7, v3;
	v4 =	vand.u32 $0xFFFFFF80, v58  }
0x6d: {  	v3 =	vor.u32 v3, v4  }
0x6e: {  	v4 =	vperm.xlane v3, v0;
	_ =	sdelay $0x1  }
0x6f: {  	v4 =	vadd.s32 v1, v4;
	_ =	sdelay $0x4  }
0x70: {  	[tilespmem:s14], [sflag:$0x1] =	stream.indirect_vreg.gather [hbm4b:s2+s3], $0x80, v4, vm0, $0xb8;
	[tilespmem:$0x10080] =	vst v63  }
0x71: {  	_ = 	snop  }
0x72: {  	[tilespmem:s30], [sflag:$0x1] =	stream.indirect_vreg.gather [hbm4b:s4+s3], $0x80, v4, vm0, $0xb8;
	[tilespmem:$0x10080] =	vst v63  }
0x73: {  	_ = 	snop  }
0x74: {  	[tilespmem:s31], [sflag:$0x1] =	stream.indirect_vreg.gather [hbm4b:s5+s3], $0x80, v4, vm0, $0xb8;
	[tilespmem:$0x10080] =	vst v63  }
0x75: {  	_ = 	snop  }
0x76: {  	[tilespmem:s0], [sflag:$0x1] =	stream.indirect_vreg.gather [hbm4b:s6+s3], $0x80, v4, vm0, $0xb8;
	[tilespmem:$0x10080] =	vst v63  }
0x77: {  	_ = 	snop  }
0x78: {  	[tilespmem:s1], [sflag:$0x1] =	stream.indirect_vreg.gather [hbm4b:s8+s3], $0x80, v4, vm0, $0xb8;
	[tilespmem:$0x10080] =	vst v63  }
0x79: {  	v3 =	vperm.xlane v3, v2  }
0x7a: {  	[tilespmem:s7], [sflag:$0x1] =	stream.indirect_vreg.gather [hbm4b:s9+s3], $0x80, v4, vm0, $0xb8;
	[tilespmem:$0x10080] =	vst v63  }
0x7b: {  	v3 =	vadd.s32 v1, v3  }
0x7c: {  	[tilespmem:s15], [sflag:$0x1] =	stream.indirect_vreg.gather [hbm4b:s10+s3], $0x80, v4, vm0, $0xb8;
	[tilespmem:$0x10080] =	vst v63  }
0x7d: {  	_ = 	snop  }
0x7e: {  	[tilespmem:s16], [sflag:$0x1] =	stream.indirect_vreg.gather [hbm4b:s11+s3], $0x80, v4, vm0, $0xb8;
	[tilespmem:$0x10080] =	vst v63  }
0x7f: {  	_ = 	snop  }
0x80: {  	[tilespmem:s17], [sflag:$0x1] =	stream.indirect_vreg.gather [hbm4b:s2+s3], $0x80, v3, vm0, $0xb8;
	[tilespmem:$0x10080] =	vst v63  }
0x81: {  	_ = 	snop  }
0x82: {  	[tilespmem:s18], [sflag:$0x1] =	stream.indirect_vreg.gather [hbm4b:s4+s3], $0x80, v3, vm0, $0xb8;
	[tilespmem:$0x10080] =	vst v63  }
0x83: {  	_ = 	snop  }
0x84: {  	[tilespmem:s19], [sflag:$0x1] =	stream.indirect_vreg.gather [hbm4b:s5+s3], $0x80, v3, vm0, $0xb8;
	[tilespmem:$0x10080] =	vst v63  }
0x85: {  	_ = 	snop  }
0x86: {  	[tilespmem:s20], [sflag:$0x1] =	stream.indirect_vreg.gather [hbm4b:s6+s3], $0x80, v3, vm0, $0xb8;
	[tilespmem:$0x10080] =	vst v63  }
0x87: {  	_ = 	snop  }
0x88: {  	[tilespmem:s21], [sflag:$0x1] =	stream.indirect_vreg.gather [hbm4b:s8+s3], $0x80, v3, vm0, $0xb8;
	[tilespmem:$0x10080] =	vst v63  }
0x89: {  	_ = 	snop  }
0x8a: {  	[tilespmem:s22], [sflag:$0x1] =	stream.indirect_vreg.gather [hbm4b:s9+s3], $0x80, v3, vm0, $0xb8;
	[tilespmem:$0x10080] =	vst v63  }
0x8b: {  	_ = 	snop  }
0x8c: {  	[tilespmem:s23], [sflag:$0x1] =	stream.indirect_vreg.gather [hbm4b:s10+s3], $0x80, v3, vm0, $0xb8;
	[tilespmem:$0x10080] =	vst v63  }
0x8d: {  	_ = 	snop  }
0x8e: {  	[tilespmem:s24], [sflag:$0x1] =	stream.indirect_vreg.gather [hbm4b:s11+s3], $0x80, v3, vm0, $0xb8;
	[tilespmem:$0x10080] =	vst v63  }
0x8f: {  	v3 =	vld [tilespmem:$0x30];
	_ =	sdelay $0x4  }
0x90: {  	v59 =	vshll.u32 v3, $0x4  }
0x91: {  	v3 =	vand.u32 $0x7, v3;
	v4 =	vand.u32 $0xFFFFFF80, v59  }
0x92: {  	v3 =	vor.u32 v3, v4  }
0x93: {  	v4 =	vperm.xlane v3, v0;
	_ =	sdelay $0x1  }
0x94: {  	v4 =	vadd.s32 v1, v4;
	_ =	sdelay $0x4  }
0x95: {  	[tilespmem:s25], [sflag:$0x1] =	stream.indirect_vreg.gather [hbm4b:s2+s3], $0x80, v4, vm0, $0xb8;
	[tilespmem:$0x10080] =	vst v63  }
0x96: {  	_ = 	snop  }
0x97: {  	[tilespmem:s26], [sflag:$0x1] =	stream.indirect_vreg.gather [hbm4b:s4+s3], $0x80, v4, vm0, $0xb8;
	[tilespmem:$0x10080] =	vst v63  }
0x98: {  	s29 =	simm.s32 $0x9080  }
0x99: {  	[tilespmem:s29], [sflag:$0x1] =	stream.indirect_vreg.gather [hbm4b:s5+s3], $0x80, v4, vm0, $0xb8;
	[tilespmem:$0x10080] =	vst v63  }
0x9a: {  	s29 =	simm.s32 $0x9880  }
0x9b: {  	[tilespmem:s29], [sflag:$0x1] =	stream.indirect_vreg.gather [hbm4b:s6+s3], $0x80, v4, vm0, $0xb8;
	[tilespmem:$0x10080] =	vst v63  }
0x9c: {  	s29 =	simm.s32 $0xA080  }
0x9d: {  	[tilespmem:s29], [sflag:$0x1] =	stream.indirect_vreg.gather [hbm4b:s8+s3], $0x80, v4, vm0, $0xb8;
	[tilespmem:$0x10080] =	vst v63  }
0x9e: {  	v3 =	vperm.xlane v3, v2;
	s29 =	simm.s32 $0xA880  }
0x9f: {  	[tilespmem:s29], [sflag:$0x1] =	stream.indirect_vreg.gather [hbm4b:s9+s3], $0x80, v4, vm0, $0xb8;
	[tilespmem:$0x10080] =	vst v63  }
0xa0: {  	v3 =	vadd.s32 v1, v3;
	s29 =	simm.s32 $0xB080  }
0xa1: {  	[tilespmem:s29], [sflag:$0x1] =	stream.indirect_vreg.gather [hbm4b:s10+s3], $0x80, v4, vm0, $0xb8;
	[tilespmem:$0x10080] =	vst v63  }
0xa2: {  	s29 =	simm.s32 $0xB880  }
0xa3: {  	[tilespmem:s29], [sflag:$0x1] =	stream.indirect_vreg.gather [hbm4b:s11+s3], $0x80, v4, vm0, $0xb8;
	[tilespmem:$0x10080] =	vst v63  }
0xa4: {  	s29 =	simm.s32 $0xC080  }
0xa5: {  	[tilespmem:s29], [sflag:$0x1] =	stream.indirect_vreg.gather [hbm4b:s2+s3], $0x80, v3, vm0, $0xb8;
	[tilespmem:$0x10080] =	vst v63  }
0xa6: {  	s29 =	simm.s32 $0xC880  }
0xa7: {  	[tilespmem:s29], [sflag:$0x1] =	stream.indirect_vreg.gather [hbm4b:s4+s3], $0x80, v3, vm0, $0xb8;
	[tilespmem:$0x10080] =	vst v63  }
0xa8: {  	s29 =	simm.s32 $0xD080  }
0xa9: {  	[tilespmem:s29], [sflag:$0x1] =	stream.indirect_vreg.gather [hbm4b:s5+s3], $0x80, v3, vm0, $0xb8;
	[tilespmem:$0x10080] =	vst v63  }
0xaa: {  	s29 =	simm.s32 $0xD880  }
0xab: {  	[tilespmem:s29], [sflag:$0x1] =	stream.indirect_vreg.gather [hbm4b:s6+s3], $0x80, v3, vm0, $0xb8;
	[tilespmem:$0x10080] =	vst v63  }
0xac: {  	s29 =	simm.s32 $0xE080  }
0xad: {  	[tilespmem:s29], [sflag:$0x1] =	stream.indirect_vreg.gather [hbm4b:s8+s3], $0x80, v3, vm0, $0xb8;
	[tilespmem:$0x10080] =	vst v63  }
0xae: {  	s29 =	simm.s32 $0xE880  }
0xaf: {  	[tilespmem:s29], [sflag:$0x1] =	stream.indirect_vreg.gather [hbm4b:s9+s3], $0x80, v3, vm0, $0xb8;
	[tilespmem:$0x10080] =	vst v63  }
0xb0: {  	s29 =	simm.s32 $0xF080  }
0xb1: {  	[tilespmem:s29], [sflag:$0x1] =	stream.indirect_vreg.gather [hbm4b:s10+s3], $0x80, v3, vm0, $0xb8;
	[tilespmem:$0x10080] =	vst v63  }
0xb2: {  	s29 =	simm.s32 $0xF880  }
0xb3: {  	[tilespmem:s29], [sflag:$0x1] =	stream.indirect_vreg.gather [hbm4b:s11+s3], $0x80, v3, vm0, $0xb8;
	[tilespmem:$0x10080] =	vst v63  }
0xb4: {  	_ =	swait.ge [sflag:s28], $0x10000  }
0xb5: {  	[sflag:s28] =	ssyncset.done $0x0  }
0xb6: {  	s29 =	rddreg [dreg:$0x5];
	[sflag:s28] =	ssyncadd.s32 $0xFFFF0000  }
0xb7: {  	[hbm4b:s29+s3] =	stream.linear.scatter [tilespmem:s14], [sflag:$0x2], $0x10000, $0x38;
	[tilespmem:$0x10080] =	vst v63  }
0xb8: {  	_ =	swait.ge [sflag:s13], $0x10000  }
0xb9: {  	[sflag:s13] =	ssyncset.done $0x0  }
0xba: {  	[sflag:s13] =	ssyncadd.s32 $0xFFFF0000  }
0xbb: {  	v3 =	vld [tilespmem:$0x40];
	_ =	sdelay $0x4  }
0xbc: {  	v60 =	vshll.u32 v3, $0x4  }
0xbd: {  	v3 =	vand.u32 $0x7, v3;
	v4 =	vand.u32 $0xFFFFFF80, v60  }
0xbe: {  	v3 =	vor.u32 v3, v4  }
0xbf: {  	v4 =	vperm.xlane v3, v0;
	_ =	sdelay $0x1  }
0xc0: {  	v4 =	vadd.s32 v1, v4;
	_ =	sdelay $0x4  }
0xc1: {  	[tilespmem:s14], [sflag:$0x1] =	stream.indirect_vreg.gather [hbm4b:s2+s3], $0x80, v4, vm0, $0xb8;
	[tilespmem:$0x10080] =	vst v63  }
0xc2: {  	_ = 	snop  }
0xc3: {  	[tilespmem:s30], [sflag:$0x1] =	stream.indirect_vreg.gather [hbm4b:s4+s3], $0x80, v4, vm0, $0xb8;
	[tilespmem:$0x10080] =	vst v63  }
0xc4: {  	_ = 	snop  }
0xc5: {  	[tilespmem:s31], [sflag:$0x1] =	stream.indirect_vreg.gather [hbm4b:s5+s3], $0x80, v4, vm0, $0xb8;
	[tilespmem:$0x10080] =	vst v63  }
0xc6: {  	_ = 	snop  }
0xc7: {  	[tilespmem:s0], [sflag:$0x1] =	stream.indirect_vreg.gather [hbm4b:s6+s3], $0x80, v4, vm0, $0xb8;
	[tilespmem:$0x10080] =	vst v63  }
0xc8: {  	_ = 	snop  }
0xc9: {  	[tilespmem:s1], [sflag:$0x1] =	stream.indirect_vreg.gather [hbm4b:s8+s3], $0x80, v4, vm0, $0xb8;
	[tilespmem:$0x10080] =	vst v63  }
0xca: {  	v3 =	vperm.xlane v3, v2  }
0xcb: {  	[tilespmem:s7], [sflag:$0x1] =	stream.indirect_vreg.gather [hbm4b:s9+s3], $0x80, v4, vm0, $0xb8;
	[tilespmem:$0x10080] =	vst v63  }
0xcc: {  	v3 =	vadd.s32 v1, v3  }
0xcd: {  	[tilespmem:s15], [sflag:$0x1] =	stream.indirect_vreg.gather [hbm4b:s10+s3], $0x80, v4, vm0, $0xb8;
	[tilespmem:$0x10080] =	vst v63  }
0xce: {  	_ = 	snop  }
0xcf: {  	[tilespmem:s16], [sflag:$0x1] =	stream.indirect_vreg.gather [hbm4b:s11+s3], $0x80, v4, vm0, $0xb8;
	[tilespmem:$0x10080] =	vst v63  }
0xd0: {  	_ = 	snop  }
0xd1: {  	[tilespmem:s17], [sflag:$0x1] =	stream.indirect_vreg.gather [hbm4b:s2+s3], $0x80, v3, vm0, $0xb8;
	[tilespmem:$0x10080] =	vst v63  }
0xd2: {  	_ = 	snop  }
0xd3: {  	[tilespmem:s18], [sflag:$0x1] =	stream.indirect_vreg.gather [hbm4b:s4+s3], $0x80, v3, vm0, $0xb8;
	[tilespmem:$0x10080] =	vst v63  }
0xd4: {  	_ = 	snop  }
0xd5: {  	[tilespmem:s19], [sflag:$0x1] =	stream.indirect_vreg.gather [hbm4b:s5+s3], $0x80, v3, vm0, $0xb8;
	[tilespmem:$0x10080] =	vst v63  }
0xd6: {  	_ = 	snop  }
0xd7: {  	[tilespmem:s20], [sflag:$0x1] =	stream.indirect_vreg.gather [hbm4b:s6+s3], $0x80, v3, vm0, $0xb8;
	[tilespmem:$0x10080] =	vst v63  }
0xd8: {  	_ = 	snop  }
0xd9: {  	[tilespmem:s21], [sflag:$0x1] =	stream.indirect_vreg.gather [hbm4b:s8+s3], $0x80, v3, vm0, $0xb8;
	[tilespmem:$0x10080] =	vst v63  }
0xda: {  	_ = 	snop  }
0xdb: {  	[tilespmem:s22], [sflag:$0x1] =	stream.indirect_vreg.gather [hbm4b:s9+s3], $0x80, v3, vm0, $0xb8;
	[tilespmem:$0x10080] =	vst v63  }
0xdc: {  	_ = 	snop  }
0xdd: {  	[tilespmem:s23], [sflag:$0x1] =	stream.indirect_vreg.gather [hbm4b:s10+s3], $0x80, v3, vm0, $0xb8;
	[tilespmem:$0x10080] =	vst v63  }
0xde: {  	_ = 	snop  }
0xdf: {  	[tilespmem:s24], [sflag:$0x1] =	stream.indirect_vreg.gather [hbm4b:s11+s3], $0x80, v3, vm0, $0xb8;
	[tilespmem:$0x10080] =	vst v63  }
0xe0: {  	v3 =	vld [tilespmem:$0x50];
	_ =	sdelay $0x4  }
0xe1: {  	v61 =	vshll.u32 v3, $0x4  }
0xe2: {  	v3 =	vand.u32 $0x7, v3;
	v4 =	vand.u32 $0xFFFFFF80, v61  }
0xe3: {  	v3 =	vor.u32 v3, v4  }
0xe4: {  	v4 =	vperm.xlane v3, v0;
	_ =	sdelay $0x1  }
0xe5: {  	v4 =	vadd.s32 v1, v4;
	_ =	sdelay $0x4  }
0xe6: {  	[tilespmem:s25], [sflag:$0x1] =	stream.indirect_vreg.gather [hbm4b:s2+s3], $0x80, v4, vm0, $0xb8;
	[tilespmem:$0x10080] =	vst v63  }
0xe7: {  	_ = 	snop  }
0xe8: {  	[tilespmem:s26], [sflag:$0x1] =	stream.indirect_vreg.gather [hbm4b:s4+s3], $0x80, v4, vm0, $0xb8;
	[tilespmem:$0x10080] =	vst v63  }
0xe9: {  	s29 =	simm.s32 $0x9080  }
0xea: {  	[tilespmem:s29], [sflag:$0x1] =	stream.indirect_vreg.gather [hbm4b:s5+s3], $0x80, v4, vm0, $0xb8;
	[tilespmem:$0x10080] =	vst v63  }
0xeb: {  	s29 =	simm.s32 $0x9880  }
0xec: {  	[tilespmem:s29], [sflag:$0x1] =	stream.indirect_vreg.gather [hbm4b:s6+s3], $0x80, v4, vm0, $0xb8;
	[tilespmem:$0x10080] =	vst v63  }
0xed: {  	s29 =	simm.s32 $0xA080  }
0xee: {  	[tilespmem:s29], [sflag:$0x1] =	stream.indirect_vreg.gather [hbm4b:s8+s3], $0x80, v4, vm0, $0xb8;
	[tilespmem:$0x10080] =	vst v63  }
0xef: {  	v3 =	vperm.xlane v3, v2;
	s29 =	simm.s32 $0xA880  }
0xf0: {  	[tilespmem:s29], [sflag:$0x1] =	stream.indirect_vreg.gather [hbm4b:s9+s3], $0x80, v4, vm0, $0xb8;
	[tilespmem:$0x10080] =	vst v63  }
0xf1: {  	v3 =	vadd.s32 v1, v3;
	s29 =	simm.s32 $0xB080  }
0xf2: {  	[tilespmem:s29], [sflag:$0x1] =	stream.indirect_vreg.gather [hbm4b:s10+s3], $0x80, v4, vm0, $0xb8;
	[tilespmem:$0x10080] =	vst v63  }
0xf3: {  	s29 =	simm.s32 $0xB880  }
0xf4: {  	[tilespmem:s29], [sflag:$0x1] =	stream.indirect_vreg.gather [hbm4b:s11+s3], $0x80, v4, vm0, $0xb8;
	[tilespmem:$0x10080] =	vst v63  }
0xf5: {  	s29 =	simm.s32 $0xC080  }
0xf6: {  	[tilespmem:s29], [sflag:$0x1] =	stream.indirect_vreg.gather [hbm4b:s2+s3], $0x80, v3, vm0, $0xb8;
	[tilespmem:$0x10080] =	vst v63  }
0xf7: {  	s29 =	simm.s32 $0xC880  }
0xf8: {  	[tilespmem:s29], [sflag:$0x1] =	stream.indirect_vreg.gather [hbm4b:s4+s3], $0x80, v3, vm0, $0xb8;
	[tilespmem:$0x10080] =	vst v63  }
0xf9: {  	s29 =	simm.s32 $0xD080  }
0xfa: {  	[tilespmem:s29], [sflag:$0x1] =	stream.indirect_vreg.gather [hbm4b:s5+s3], $0x80, v3, vm0, $0xb8;
	[tilespmem:$0x10080] =	vst v63  }
0xfb: {  	s29 =	simm.s32 $0xD880  }
0xfc: {  	[tilespmem:s29], [sflag:$0x1] =	stream.indirect_vreg.gather [hbm4b:s6+s3], $0x80, v3, vm0, $0xb8;
	[tilespmem:$0x10080] =	vst v63  }
0xfd: {  	s29 =	simm.s32 $0xE080  }
0xfe: {  	[tilespmem:s29], [sflag:$0x1] =	stream.indirect_vreg.gather [hbm4b:s8+s3], $0x80, v3, vm0, $0xb8;
	[tilespmem:$0x10080] =	vst v63  }
0xff: {  	s29 =	simm.s32 $0xE880  }
0x100: {  	[tilespmem:s29], [sflag:$0x1] =	stream.indirect_vreg.gather [hbm4b:s9+s3], $0x80, v3, vm0, $0xb8;
	[tilespmem:$0x10080] =	vst v63  }
0x101: {  	s29 =	simm.s32 $0xF080  }
0x102: {  	[tilespmem:s29], [sflag:$0x1] =	stream.indirect_vreg.gather [hbm4b:s10+s3], $0x80, v3, vm0, $0xb8;
	[tilespmem:$0x10080] =	vst v63  }
0x103: {  	s29 =	simm.s32 $0xF880  }
0x104: {  	[tilespmem:s29], [sflag:$0x1] =	stream.indirect_vreg.gather [hbm4b:s11+s3], $0x80, v3, vm0, $0xb8;
	[tilespmem:$0x10080] =	vst v63  }
0x105: {  	_ =	swait.ge [sflag:s28], $0x10000  }
0x106: {  	[sflag:s28] =	ssyncset.done $0x0  }
0x107: {  	s29 =	rddreg [dreg:$0x6];
	[sflag:s28] =	ssyncadd.s32 $0xFFFF0000  }
0x108: {  	[hbm4b:s29+s3] =	stream.linear.scatter [tilespmem:s14], [sflag:$0x2], $0x10000, $0x38;
	[tilespmem:$0x10080] =	vst v63  }
0x109: {  	_ =	swait.ge [sflag:s13], $0x10000  }
0x10a: {  	[sflag:s13] =	ssyncset.done $0x0  }
0x10b: {  	[sflag:s13] =	ssyncadd.s32 $0xFFFF0000  }
0x10c: {  	v3 =	vld [tilespmem:$0x60];
	_ =	sdelay $0x4  }
0x10d: {  	v62 =	vshll.u32 v3, $0x4  }
0x10e: {  	v3 =	vand.u32 $0x7, v3;
	v4 =	vand.u32 $0xFFFFFF80, v62  }
0x10f: {  	v3 =	vor.u32 v3, v4  }
0x110: {  	v4 =	vperm.xlane v3, v0;
	_ =	sdelay $0x1  }
0x111: {  	v4 =	vadd.s32 v1, v4;
	_ =	sdelay $0x4  }
0x112: {  	[tilespmem:s14], [sflag:$0x1] =	stream.indirect_vreg.gather [hbm4b:s2+s3], $0x80, v4, vm0, $0xb8;
	[tilespmem:$0x10080] =	vst v63  }
0x113: {  	_ = 	snop  }
0x114: {  	[tilespmem:s30], [sflag:$0x1] =	stream.indirect_vreg.gather [hbm4b:s4+s3], $0x80, v4, vm0, $0xb8;
	[tilespmem:$0x10080] =	vst v63  }
0x115: {  	_ = 	snop  }
0x116: {  	[tilespmem:s31], [sflag:$0x1] =	stream.indirect_vreg.gather [hbm4b:s5+s3], $0x80, v4, vm0, $0xb8;
	[tilespmem:$0x10080] =	vst v63  }
0x117: {  	_ = 	snop  }
0x118: {  	[tilespmem:s0], [sflag:$0x1] =	stream.indirect_vreg.gather [hbm4b:s6+s3], $0x80, v4, vm0, $0xb8;
	[tilespmem:$0x10080] =	vst v63  }
0x119: {  	_ = 	snop  }
0x11a: {  	[tilespmem:s1], [sflag:$0x1] =	stream.indirect_vreg.gather [hbm4b:s8+s3], $0x80, v4, vm0, $0xb8;
	[tilespmem:$0x10080] =	vst v63  }
0x11b: {  	v3 =	vperm.xlane v3, v2  }
0x11c: {  	[tilespmem:s7], [sflag:$0x1] =	stream.indirect_vreg.gather [hbm4b:s9+s3], $0x80, v4, vm0, $0xb8;
	[tilespmem:$0x10080] =	vst v63  }
0x11d: {  	v3 =	vadd.s32 v1, v3  }
0x11e: {  	[tilespmem:s15], [sflag:$0x1] =	stream.indirect_vreg.gather [hbm4b:s10+s3], $0x80, v4, vm0, $0xb8;
	[tilespmem:$0x10080] =	vst v63  }
0x11f: {  	_ = 	snop  }
0x120: {  	[tilespmem:s16], [sflag:$0x1] =	stream.indirect_vreg.gather [hbm4b:s11+s3], $0x80, v4, vm0, $0xb8;
	[tilespmem:$0x10080] =	vst v63  }
0x121: {  	_ = 	snop  }
0x122: {  	[tilespmem:s17], [sflag:$0x1] =	stream.indirect_vreg.gather [hbm4b:s2+s3], $0x80, v3, vm0, $0xb8;
	[tilespmem:$0x10080] =	vst v63  }
0x123: {  	_ = 	snop  }
0x124: {  	[tilespmem:s18], [sflag:$0x1] =	stream.indirect_vreg.gather [hbm4b:s4+s3], $0x80, v3, vm0, $0xb8;
	[tilespmem:$0x10080] =	vst v63  }
0x125: {  	_ = 	snop  }
0x126: {  	[tilespmem:s19], [sflag:$0x1] =	stream.indirect_vreg.gather [hbm4b:s5+s3], $0x80, v3, vm0, $0xb8;
	[tilespmem:$0x10080] =	vst v63  }
0x127: {  	_ = 	snop  }
0x128: {  	[tilespmem:s20], [sflag:$0x1] =	stream.indirect_vreg.gather [hbm4b:s6+s3], $0x80, v3, vm0, $0xb8;
	[tilespmem:$0x10080] =	vst v63  }
0x129: {  	_ = 	snop  }
0x12a: {  	[tilespmem:s21], [sflag:$0x1] =	stream.indirect_vreg.gather [hbm4b:s8+s3], $0x80, v3, vm0, $0xb8;
	[tilespmem:$0x10080] =	vst v63  }
0x12b: {  	_ = 	snop  }
0x12c: {  	[tilespmem:s22], [sflag:$0x1] =	stream.indirect_vreg.gather [hbm4b:s9+s3], $0x80, v3, vm0, $0xb8;
	[tilespmem:$0x10080] =	vst v63  }
0x12d: {  	_ = 	snop  }
0x12e: {  	[tilespmem:s23], [sflag:$0x1] =	stream.indirect_vreg.gather [hbm4b:s10+s3], $0x80, v3, vm0, $0xb8;
	[tilespmem:$0x10080] =	vst v63  }
0x12f: {  	_ = 	snop  }
0x130: {  	[tilespmem:s24], [sflag:$0x1] =	stream.indirect_vreg.gather [hbm4b:s11+s3], $0x80, v3, vm0, $0xb8;
	[tilespmem:$0x10080] =	vst v63  }
0x131: {  	v3 =	vld [tilespmem:$0x70];
	_ =	sdelay $0x4  }
0x132: {  	v63 =	vshll.u32 v3, $0x4  }
0x133: {  	v3 =	vand.u32 $0x7, v3;
	v4 =	vand.u32 $0xFFFFFF80, v63  }
0x134: {  	v3 =	vor.u32 v3, v4  }
0x135: {  	v4 =	vperm.xlane v3, v0;
	_ =	sdelay $0x1  }
0x136: {  	v4 =	vadd.s32 v1, v4;
	_ =	sdelay $0x4  }
0x137: {  	[tilespmem:s25], [sflag:$0x1] =	stream.indirect_vreg.gather [hbm4b:s2+s3], $0x80, v4, vm0, $0xb8;
	[tilespmem:$0x10080] =	vst v63  }
0x138: {  	_ = 	snop  }
0x139: {  	[tilespmem:s26], [sflag:$0x1] =	stream.indirect_vreg.gather [hbm4b:s4+s3], $0x80, v4, vm0, $0xb8;
	[tilespmem:$0x10080] =	vst v63  }
0x13a: {  	s29 =	simm.s32 $0x9080  }
0x13b: {  	[tilespmem:s29], [sflag:$0x1] =	stream.indirect_vreg.gather [hbm4b:s5+s3], $0x80, v4, vm0, $0xb8;
	[tilespmem:$0x10080] =	vst v63  }
0x13c: {  	s29 =	simm.s32 $0x9880  }
0x13d: {  	[tilespmem:s29], [sflag:$0x1] =	stream.indirect_vreg.gather [hbm4b:s6+s3], $0x80, v4, vm0, $0xb8;
	[tilespmem:$0x10080] =	vst v63  }
0x13e: {  	s29 =	simm.s32 $0xA080  }
0x13f: {  	[tilespmem:s29], [sflag:$0x1] =	stream.indirect_vreg.gather [hbm4b:s8+s3], $0x80, v4, vm0, $0xb8;
	[tilespmem:$0x10080] =	vst v63  }
0x140: {  	v3 =	vperm.xlane v3, v2;
	s29 =	simm.s32 $0xA880  }
0x141: {  	[tilespmem:s29], [sflag:$0x1] =	stream.indirect_vreg.gather [hbm4b:s9+s3], $0x80, v4, vm0, $0xb8;
	[tilespmem:$0x10080] =	vst v63  }
0x142: {  	v3 =	vadd.s32 v1, v3;
	s29 =	simm.s32 $0xB080  }
0x143: {  	[tilespmem:s29], [sflag:$0x1] =	stream.indirect_vreg.gather [hbm4b:s10+s3], $0x80, v4, vm0, $0xb8;
	[tilespmem:$0x10080] =	vst v63  }
0x144: {  	s29 =	simm.s32 $0xB880  }
0x145: {  	[tilespmem:s29], [sflag:$0x1] =	stream.indirect_vreg.gather [hbm4b:s11+s3], $0x80, v4, vm0, $0xb8;
	[tilespmem:$0x10080] =	vst v63  }
0x146: {  	s29 =	simm.s32 $0xC080  }
0x147: {  	[tilespmem:s29], [sflag:$0x1] =	stream.indirect_vreg.gather [hbm4b:s2+s3], $0x80, v3, vm0, $0xb8;
	[tilespmem:$0x10080] =	vst v63  }
0x148: {  	s29 =	simm.s32 $0xC880  }
0x149: {  	[tilespmem:s29], [sflag:$0x1] =	stream.indirect_vreg.gather [hbm4b:s4+s3], $0x80, v3, vm0, $0xb8;
	[tilespmem:$0x10080] =	vst v63  }
0x14a: {  	s29 =	simm.s32 $0xD080  }
0x14b: {  	[tilespmem:s29], [sflag:$0x1] =	stream.indirect_vreg.gather [hbm4b:s5+s3], $0x80, v3, vm0, $0xb8;
	[tilespmem:$0x10080] =	vst v63  }
0x14c: {  	s29 =	simm.s32 $0xD880  }
0x14d: {  	[tilespmem:s29], [sflag:$0x1] =	stream.indirect_vreg.gather [hbm4b:s6+s3], $0x80, v3, vm0, $0xb8;
	[tilespmem:$0x10080] =	vst v63  }
0x14e: {  	s29 =	simm.s32 $0xE080  }
0x14f: {  	[tilespmem:s29], [sflag:$0x1] =	stream.indirect_vreg.gather [hbm4b:s8+s3], $0x80, v3, vm0, $0xb8;
	[tilespmem:$0x10080] =	vst v63  }
0x150: {  	s29 =	simm.s32 $0xE880  }
0x151: {  	[tilespmem:s29], [sflag:$0x1] =	stream.indirect_vreg.gather [hbm4b:s9+s3], $0x80, v3, vm0, $0xb8;
	[tilespmem:$0x10080] =	vst v63  }
0x152: {  	s29 =	simm.s32 $0xF080  }
0x153: {  	[tilespmem:s29], [sflag:$0x1] =	stream.indirect_vreg.gather [hbm4b:s10+s3], $0x80, v3, vm0, $0xb8;
	[tilespmem:$0x10080] =	vst v63  }
0x154: {  	s29 =	simm.s32 $0xF880  }
0x155: {  	[tilespmem:s29], [sflag:$0x1] =	stream.indirect_vreg.gather [hbm4b:s11+s3], $0x80, v3, vm0, $0xb8;
	[tilespmem:$0x10080] =	vst v63  }
0x156: {  	_ =	swait.ge [sflag:s28], $0x10000  }
0x157: {  	p0 =	sne.s32 s12, $0x1;
	[sflag:s28] =	ssyncset.done $0x0  }
.Ltmp0:
0x158: {  	s0 =	rddreg [dreg:$0x7];
	[sflag:s28] =	ssyncadd.s32 $0xFFFF0000;
	(pc) =	sbr.rel @p0 .LBB2_1-.Ltmp0, $4  }
0x159: {  	[hbm4b:s0+s3] =	stream.linear.scatter [tilespmem:s14], [sflag:$0x2], $0x10000, $0x38;
	[tilespmem:$0x10080] =	vst v63  }
0x15a: {  	_ =	swait.ge [sflag:s13], $0x10000  }
0x15b: {  	[sflag:s13] =	ssyncset.done $0x0  }
0x15c: {  	s12 =	sadd.s32 $0xFFFFFFFF, s12;
	[sflag:s13] =	ssyncadd.s32 $0xFFFF0000  }
0x15d: {  	_ =	sfence.sel $0x180000  }
0x15e: {  	[bflag:$0x0] =	sbarrier.arrive $0xFFFF  }
0x15f: {  	_ =	strace $0x90000047  }
0x160: {  	s0 =	stileid.u32;
	[bflag:$0x2] =	sbarrier.arrive $0xFFFF  }
0x161: {  	p0 =	sne.s32 s0, $0x0;
	s0 =	rddreg [dreg:$0x3]  }
0x162: {  	s0 =	sadd.s32 @!p0 $0x100000, s0  }
0x163: {  	[sflag:s0] =	ssyncadd.tile.s32 @!p0 $0x1;
	_ =	shalt  }
.Lfunc_end2:
_tile_overlayer_lowered:
.L_overlay_start_2:
0x164: {  	(tag) =	ssettag $0x2  }
0x165: {  	s0 =	rddreg [dreg:$0x0];
	s2 =	stileid.u32  }
0x166: {  	s1 =	rddreg [dreg:$0x1];
	p0 =	sne.s32 s2, $0x0  }
0x167: {  	s3 =	rddreg [dreg:$0x2];
	[bflag:$0x3] =	sbarrier.arrive $0xFFFF;
	s2 =	simm.s32 @!p0 $0x1C02  }
0x168: {  	[timem:s3], [sflag:s2] =	dma.local @!p0 [hbm:s0], s1  }
0x169: {  	s0 =	simm.s32 @!p0 $0x2  }
0x16a: {  	_ =	swait.ge @!p0 [sflag:s0], s1  }
0x16b: {  	s1 =	ssub.s32 @!p0 $0x0, s1;
	[sflag:s0] =	ssyncset.done @!p0 $0x0  }
0x16c: {  	[sflag:s0] =	ssyncadd.s32 @!p0 s1  }
0x16d: {  	[bflag:$0x3] =	sbarrier.arrive $0xFFFF  }
0x16e: {  	_ =	shalt  }

</sc_bundles>
